<compile_context>
chip_gen: v7x
topology: tpu7x:2x2x1
jax: 0.10.2.dev20260603
libtpu: 0.0.44.dev20260713+nightly
codegen_flags: <defaults>
</compile_context>

<pallas_src>
import functools

import jax
import jax.numpy as jnp
from jax import lax
from jax.experimental import pallas as pl
from jax.experimental.pallas import tpu as pltpu
from jax.experimental.pallas import tpu_sc as plsc

D_MODEL = 128
CHUNK = 80
NBUF = 10
LOOKAHEAD = NBUF // 2
NUM_CORES = 2
NUM_SUBCORES = 16
NUM_WORKERS = NUM_CORES * NUM_SUBCORES


@functools.partial(jax.jit, static_argnums=(2, 3))
def _gather_rows(idx3, table, n_rows, n_chunks):
    rows_per_w = n_chunks * CHUNK
    mesh = plsc.VectorSubcoreMesh(core_axis_name="c", subcore_axis_name="s")

    @functools.partial(
        pl.kernel,
        out_type=jax.ShapeDtypeStruct((n_rows, D_MODEL), jnp.float32),
        mesh=mesh,
        scratch_types=[
            pltpu.VMEM((n_chunks, CHUNK), jnp.int32),
            [pltpu.VMEM((CHUNK, D_MODEL), jnp.float32) for _ in range(NBUF)],
            [pltpu.SemaphoreType.DMA for _ in range(NBUF)],
            [pltpu.SemaphoreType.DMA for _ in range(NBUF)],
        ],
    )
    def k(idx_hbm, table_hbm, out_hbm, idx_v, rows, gsem, wsem):
        wid = lax.axis_index("s") * NUM_CORES + lax.axis_index("c")
        base = wid * rows_per_w
        pltpu.sync_copy(idx_hbm.at[wid], idx_v)

        def issue_gather(c, b):
            pltpu.async_copy(table_hbm.at[idx_v.at[c]], rows[b], gsem[b])

        def wait_gather(b):
            pltpu.make_async_copy(
                table_hbm.at[pl.ds(0, CHUNK)], rows[b], gsem[b]).wait()

        def issue_write(c, b):
            pltpu.async_copy(
                rows[b], out_hbm.at[pl.ds(base + c * CHUNK, CHUNK)], wsem[b])

        def wait_write(b):
            pltpu.make_async_copy(
                rows[b], out_hbm.at[pl.ds(base, CHUNK)], wsem[b]).wait()

        L = LOOKAHEAD
        for c in range(L):
            issue_gather(c, c)
        for c in range(L):
            issue_gather(c + L, (c + L) % NBUF)
            wait_gather(c % NBUF)
            issue_write(c, c % NBUF)

        mid = n_chunks - 2 * L
        mid_loop = (mid // NBUF) * NBUF

        def steady_step(c, b):
            b2 = (b + L) % NBUF
            wait_write(b2)
            issue_gather(c + L, b2)
            wait_gather(b)
            issue_write(c, b)

        @pl.loop(L, L + mid_loop, step=NBUF)
        def _(j):
            for u in range(NBUF):
                steady_step(j + u, (L + u) % NBUF)

        for c in range(L + mid_loop, n_chunks - L):
            steady_step(c, c % NBUF)

        for c in range(n_chunks - L, n_chunks):
            wait_write((c + L) % NBUF)
            wait_gather(c % NBUF)
            issue_write(c, c % NBUF)
        for c in range(n_chunks - L, n_chunks):
            wait_write(c % NBUF)

    return k(idx3, table)


def kernel(enc_inputs, emb_table):
    batch, seq = enc_inputs.shape
    n_rows = batch * seq
    n_chunks = n_rows // (NUM_WORKERS * CHUNK)
    idx3 = enc_inputs.reshape(NUM_WORKERS, n_chunks, CHUNK)
    out = _gather_rows(idx3, emb_table, n_rows, n_chunks)
    return out.reshape(batch, seq, D_MODEL)

# --- scband reference (transcript-rebuilt; emitter-appended) ---
"""Pipeline reference for scband-encoder-54279796687441 (READ-ONLY COPY).

The authoritative reference and input builder live on the scoring server;
editing this copy changes nothing except your own understanding.
"""

import jax, jax.numpy as jnp
import numpy as np

VOCAB = 100000
D_MODEL = 128
BATCH = 1024
SEQ = 200

def setup_inputs(seed: int = 0) -> dict:
    key = jax.random.key(seed)
    k_idx, k_emb = jax.random.split(key)
    enc_inputs = jax.random.randint(k_idx, (BATCH, SEQ), 0, VOCAB, dtype=jnp.int64 if jax.config.jax_enable_x64 else jnp.int32).astype(jnp.int32)
    # nn.Embedding default init: N(0, 1)
    emb_table = jax.random.normal(k_emb, (VOCAB, D_MODEL), dtype=jnp.float32)
    return {"enc_inputs": enc_inputs, "emb_table": emb_table}

def reference(enc_inputs, emb_table):
    # Faithful to the (truncated) forward: enc_outputs = self.src_emb(enc_inputs)
    # i.e. a plain embedding lookup producing [batch, seq_len, d_model].
    enc_outputs = jnp.take(emb_table, enc_inputs, axis=0)
    return enc_outputs

if __name__ == "__main__":
    import jax
    _d = setup_inputs()
    print(jax.jit(kernel)(*tuple(_d.values())))

</pallas_src>

<mosaic_0001>
#map = affine_map<(d0, d1) -> (0, 0, 0)>
#map1 = affine_map<(d0, d1) -> (0, 0)>
module attributes {stable_mosaic.version = 14 : i64} {
  func.func @k(%arg0: i32, %arg1: i32, %arg2: memref<32x80x80xi32, #tpu.memory_space<hbm>>, %arg3: memref<100000x128xf32, #tpu.memory_space<hbm>>, %arg4: memref<204800x128xf32, #tpu.memory_space<hbm>>, %arg5: memref<80x80xi32, #tpu.memory_space<vmem>>, %arg6: memref<80x128xf32, #tpu.memory_space<vmem>>, %arg7: memref<80x128xf32, #tpu.memory_space<vmem>>, %arg8: memref<80x128xf32, #tpu.memory_space<vmem>>, %arg9: memref<80x128xf32, #tpu.memory_space<vmem>>, %arg10: memref<80x128xf32, #tpu.memory_space<vmem>>, %arg11: memref<80x128xf32, #tpu.memory_space<vmem>>, %arg12: memref<80x128xf32, #tpu.memory_space<vmem>>, %arg13: memref<80x128xf32, #tpu.memory_space<vmem>>, %arg14: memref<80x128xf32, #tpu.memory_space<vmem>>, %arg15: memref<80x128xf32, #tpu.memory_space<vmem>>, %arg16: memref<!tpu.dma_semaphore, #tpu.memory_space<semaphore_mem>>, %arg17: memref<!tpu.dma_semaphore, #tpu.memory_space<semaphore_mem>>, %arg18: memref<!tpu.dma_semaphore, #tpu.memory_space<semaphore_mem>>, %arg19: memref<!tpu.dma_semaphore, #tpu.memory_space<semaphore_mem>>, %arg20: memref<!tpu.dma_semaphore, #tpu.memory_space<semaphore_mem>>, %arg21: memref<!tpu.dma_semaphore, #tpu.memory_space<semaphore_mem>>, %arg22: memref<!tpu.dma_semaphore, #tpu.memory_space<semaphore_mem>>, %arg23: memref<!tpu.dma_semaphore, #tpu.memory_space<semaphore_mem>>, %arg24: memref<!tpu.dma_semaphore, #tpu.memory_space<semaphore_mem>>, %arg25: memref<!tpu.dma_semaphore, #tpu.memory_space<semaphore_mem>>, %arg26: memref<!tpu.dma_semaphore, #tpu.memory_space<semaphore_mem>>, %arg27: memref<!tpu.dma_semaphore, #tpu.memory_space<semaphore_mem>>, %arg28: memref<!tpu.dma_semaphore, #tpu.memory_space<semaphore_mem>>, %arg29: memref<!tpu.dma_semaphore, #tpu.memory_space<semaphore_mem>>, %arg30: memref<!tpu.dma_semaphore, #tpu.memory_space<semaphore_mem>>, %arg31: memref<!tpu.dma_semaphore, #tpu.memory_space<semaphore_mem>>, %arg32: memref<!tpu.dma_semaphore, #tpu.memory_space<semaphore_mem>>, %arg33: memref<!tpu.dma_semaphore, #tpu.memory_space<semaphore_mem>>, %arg34: memref<!tpu.dma_semaphore, #tpu.memory_space<semaphore_mem>>, %arg35: memref<!tpu.dma_semaphore, #tpu.memory_space<semaphore_mem>>) attributes {dimension_semantics = [#tpu.dimension_semantics<core_parallel>, #tpu.dimension_semantics<subcore_parallel>], iteration_bounds = array<i64: 2, 16>, scalar_prefetch = 0 : i64, scratch_operands = 31 : i64, tpu.core_type = #tpu.core_type<sc_vector_subcore>, window_params = [{transform_indices = #map}, {transform_indices = #map1}, {transform_indices = #map1}]} {
    %mul3A = arith.constant 2 : i32
    %mul3A_0 = arith.muli %arg1, %mul3A : i32
    %add3A = arith.addi %mul3A_0, %arg0 : i32
    %mul3A_1 = arith.constant 6400 : i32
    %mul3A_2 = arith.muli %add3A, %mul3A_1 : i32
    "tpu.region"() ({
      %run_scoped3A = tpu.sem_alloc : memref<!tpu.dma_semaphore, #tpu.memory_space<semaphore_mem>>
      %dma_start3A_235 = arith.constant 0 : i32
      %dma_start3A_236 = arith.constant 0 : i32
      %dma_start3A_237 = tpu.memref_slice %arg2[%add3A, %dma_start3A_235, %dma_start3A_236] : memref<32x80x80xi32, #tpu.memory_space<hbm>> -> memref<1x80x80xi32, #tpu.memory_space<hbm>>
      %dma_start3A_238 = tpu.memref_squeeze %dma_start3A_237 : memref<1x80x80xi32, #tpu.memory_space<hbm>> -> memref<80x80xi32, #tpu.memory_space<hbm>>
      %dma_start3A_239 = arith.constant 0 : i32
      %dma_start3A_240 = arith.constant 0 : i32
      %dma_start3A_241 = tpu.memref_slice %arg2[%add3A, %dma_start3A_239, %dma_start3A_240] : memref<32x80x80xi32, #tpu.memory_space<hbm>> -> memref<1x80x80xi32, #tpu.memory_space<hbm>>
      %dma_start3A_242 = tpu.memref_squeeze %dma_start3A_241 : memref<1x80x80xi32, #tpu.memory_space<hbm>> -> memref<80x80xi32, #tpu.memory_space<hbm>>
      tpu.enqueue_dma source(%dma_start3A_242 : memref<80x80xi32, #tpu.memory_space<hbm>>) target(%arg5 : memref<80x80xi32, #tpu.memory_space<vmem>>) target_semaphore(%run_scoped3A : memref<!tpu.dma_semaphore, #tpu.memory_space<semaphore_mem>>)
      %dma_wait3A_243 = arith.constant 0 : i32
      %dma_wait3A_244 = arith.constant 0 : i32
      %dma_wait3A_245 = tpu.memref_slice %arg2[%add3A, %dma_wait3A_243, %dma_wait3A_244] : memref<32x80x80xi32, #tpu.memory_space<hbm>> -> memref<1x80x80xi32, #tpu.memory_space<hbm>>
      %dma_wait3A_246 = tpu.memref_squeeze %dma_wait3A_245 : memref<1x80x80xi32, #tpu.memory_space<hbm>> -> memref<80x80xi32, #tpu.memory_space<hbm>>
      %dma_wait3A_247 = arith.constant 0 : i32
      %dma_wait3A_248 = arith.constant 0 : i32
      %dma_wait3A_249 = tpu.memref_slice %arg2[%add3A, %dma_wait3A_247, %dma_wait3A_248] : memref<32x80x80xi32, #tpu.memory_space<hbm>> -> memref<1x80x80xi32, #tpu.memory_space<hbm>>
      %dma_wait3A_250 = tpu.memref_squeeze %dma_wait3A_249 : memref<1x80x80xi32, #tpu.memory_space<hbm>> -> memref<80x80xi32, #tpu.memory_space<hbm>>
      tpu.wait_dma2 semaphore(%run_scoped3A : memref<!tpu.dma_semaphore, #tpu.memory_space<semaphore_mem>>) src(%dma_wait3A_250 : memref<80x80xi32, #tpu.memory_space<hbm>>) dst(%arg5 : memref<80x80xi32, #tpu.memory_space<vmem>>)
      tpu.yield
    }) : () -> ()
    %dma_start3A = arith.constant 0 : i32
    %dma_start3A_3 = arith.constant 0 : i32
    %dma_start3A_4 = tpu.memref_slice %arg5[%dma_start3A, %dma_start3A_3] : memref<80x80xi32, #tpu.memory_space<vmem>> -> memref<1x80xi32, #tpu.memory_space<vmem>>
    %dma_start3A_5 = tpu.memref_squeeze %dma_start3A_4 : memref<1x80xi32, #tpu.memory_space<vmem>> -> memref<80xi32, #tpu.memory_space<vmem>>
    %dma_start3A_6 = arith.constant 0 : i32
    %dma_start3A_7 = arith.constant 0 : i32
    %dma_start3A_8 = tpu.memref_slice %arg3[%dma_start3A_6, %dma_start3A_7] : memref<100000x128xf32, #tpu.memory_space<hbm>> -> memref<100000x128xf32, #tpu.memory_space<hbm>>
    tpu.enqueue_indirect_dma source(%dma_start3A_8 : memref<100000x128xf32, #tpu.memory_space<hbm>>) target(%arg6 : memref<80x128xf32, #tpu.memory_space<vmem>>) offsets(%dma_start3A_5 : memref<80xi32, #tpu.memory_space<vmem>>) semaphore(%arg16 : memref<!tpu.dma_semaphore, #tpu.memory_space<semaphore_mem>>)
    %dma_start3A_9 = arith.constant 1 : i32
    %dma_start3A_10 = arith.constant 0 : i32
    %dma_start3A_11 = tpu.memref_slice %arg5[%dma_start3A_9, %dma_start3A_10] : memref<80x80xi32, #tpu.memory_space<vmem>> -> memref<1x80xi32, #tpu.memory_space<vmem>>
    %dma_start3A_12 = tpu.memref_squeeze %dma_start3A_11 : memref<1x80xi32, #tpu.memory_space<vmem>> -> memref<80xi32, #tpu.memory_space<vmem>>
    %dma_start3A_13 = arith.constant 0 : i32
    %dma_start3A_14 = arith.constant 0 : i32
    %dma_start3A_15 = tpu.memref_slice %arg3[%dma_start3A_13, %dma_start3A_14] : memref<100000x128xf32, #tpu.memory_space<hbm>> -> memref<100000x128xf32, #tpu.memory_space<hbm>>
    tpu.enqueue_indirect_dma source(%dma_start3A_15 : memref<100000x128xf32, #tpu.memory_space<hbm>>) target(%arg7 : memref<80x128xf32, #tpu.memory_space<vmem>>) offsets(%dma_start3A_12 : memref<80xi32, #tpu.memory_space<vmem>>) semaphore(%arg17 : memref<!tpu.dma_semaphore, #tpu.memory_space<semaphore_mem>>)
    %dma_start3A_16 = arith.constant 2 : i32
    %dma_start3A_17 = arith.constant 0 : i32
    %dma_start3A_18 = tpu.memref_slice %arg5[%dma_start3A_16, %dma_start3A_17] : memref<80x80xi32, #tpu.memory_space<vmem>> -> memref<1x80xi32, #tpu.memory_space<vmem>>
    %dma_start3A_19 = tpu.memref_squeeze %dma_start3A_18 : memref<1x80xi32, #tpu.memory_space<vmem>> -> memref<80xi32, #tpu.memory_space<vmem>>
    %dma_start3A_20 = arith.constant 0 : i32
    %dma_start3A_21 = arith.constant 0 : i32
    %dma_start3A_22 = tpu.memref_slice %arg3[%dma_start3A_20, %dma_start3A_21] : memref<100000x128xf32, #tpu.memory_space<hbm>> -> memref<100000x128xf32, #tpu.memory_space<hbm>>
    tpu.enqueue_indirect_dma source(%dma_start3A_22 : memref<100000x128xf32, #tpu.memory_space<hbm>>) target(%arg8 : memref<80x128xf32, #tpu.memory_space<vmem>>) offsets(%dma_start3A_19 : memref<80xi32, #tpu.memory_space<vmem>>) semaphore(%arg18 : memref<!tpu.dma_semaphore, #tpu.memory_space<semaphore_mem>>)
    %dma_start3A_23 = arith.constant 3 : i32
    %dma_start3A_24 = arith.constant 0 : i32
    %dma_start3A_25 = tpu.memref_slice %arg5[%dma_start3A_23, %dma_start3A_24] : memref<80x80xi32, #tpu.memory_space<vmem>> -> memref<1x80xi32, #tpu.memory_space<vmem>>
    %dma_start3A_26 = tpu.memref_squeeze %dma_start3A_25 : memref<1x80xi32, #tpu.memory_space<vmem>> -> memref<80xi32, #tpu.memory_space<vmem>>
    %dma_start3A_27 = arith.constant 0 : i32
    %dma_start3A_28 = arith.constant 0 : i32
    %dma_start3A_29 = tpu.memref_slice %arg3[%dma_start3A_27, %dma_start3A_28] : memref<100000x128xf32, #tpu.memory_space<hbm>> -> memref<100000x128xf32, #tpu.memory_space<hbm>>
    tpu.enqueue_indirect_dma source(%dma_start3A_29 : memref<100000x128xf32, #tpu.memory_space<hbm>>) target(%arg9 : memref<80x128xf32, #tpu.memory_space<vmem>>) offsets(%dma_start3A_26 : memref<80xi32, #tpu.memory_space<vmem>>) semaphore(%arg19 : memref<!tpu.dma_semaphore, #tpu.memory_space<semaphore_mem>>)
    %dma_start3A_30 = arith.constant 4 : i32
    %dma_start3A_31 = arith.constant 0 : i32
    %dma_start3A_32 = tpu.memref_slice %arg5[%dma_start3A_30, %dma_start3A_31] : memref<80x80xi32, #tpu.memory_space<vmem>> -> memref<1x80xi32, #tpu.memory_space<vmem>>
    %dma_start3A_33 = tpu.memref_squeeze %dma_start3A_32 : memref<1x80xi32, #tpu.memory_space<vmem>> -> memref<80xi32, #tpu.memory_space<vmem>>
    %dma_start3A_34 = arith.constant 0 : i32
    %dma_start3A_35 = arith.constant 0 : i32
    %dma_start3A_36 = tpu.memref_slice %arg3[%dma_start3A_34, %dma_start3A_35] : memref<100000x128xf32, #tpu.memory_space<hbm>> -> memref<100000x128xf32, #tpu.memory_space<hbm>>
    tpu.enqueue_indirect_dma source(%dma_start3A_36 : memref<100000x128xf32, #tpu.memory_space<hbm>>) target(%arg10 : memref<80x128xf32, #tpu.memory_space<vmem>>) offsets(%dma_start3A_33 : memref<80xi32, #tpu.memory_space<vmem>>) semaphore(%arg20 : memref<!tpu.dma_semaphore, #tpu.memory_space<semaphore_mem>>)
    %dma_start3A_37 = arith.constant 5 : i32
    %dma_start3A_38 = arith.constant 0 : i32
    %dma_start3A_39 = tpu.memref_slice %arg5[%dma_start3A_37, %dma_start3A_38] : memref<80x80xi32, #tpu.memory_space<vmem>> -> memref<1x80xi32, #tpu.memory_space<vmem>>
    %dma_start3A_40 = tpu.memref_squeeze %dma_start3A_39 : memref<1x80xi32, #tpu.memory_space<vmem>> -> memref<80xi32, #tpu.memory_space<vmem>>
    %dma_start3A_41 = arith.constant 0 : i32
    %dma_start3A_42 = arith.constant 0 : i32
    %dma_start3A_43 = tpu.memref_slice %arg3[%dma_start3A_41, %dma_start3A_42] : memref<100000x128xf32, #tpu.memory_space<hbm>> -> memref<100000x128xf32, #tpu.memory_space<hbm>>
    tpu.enqueue_indirect_dma source(%dma_start3A_43 : memref<100000x128xf32, #tpu.memory_space<hbm>>) target(%arg11 : memref<80x128xf32, #tpu.memory_space<vmem>>) offsets(%dma_start3A_40 : memref<80xi32, #tpu.memory_space<vmem>>) semaphore(%arg21 : memref<!tpu.dma_semaphore, #tpu.memory_space<semaphore_mem>>)
    %dma_wait3A = arith.constant 0 : i32
    %dma_wait3A_44 = arith.constant 0 : i32
    %dma_wait3A_45 = tpu.memref_slice %arg3[%dma_wait3A, %dma_wait3A_44] : memref<100000x128xf32, #tpu.memory_space<hbm>> -> memref<80x128xf32, #tpu.memory_space<hbm>>
    %dma_wait3A_46 = arith.constant 0 : i32
    %dma_wait3A_47 = arith.constant 0 : i32
    %dma_wait3A_48 = tpu.memref_slice %arg3[%dma_wait3A_46, %dma_wait3A_47] : memref<100000x128xf32, #tpu.memory_space<hbm>> -> memref<80x128xf32, #tpu.memory_space<hbm>>
    tpu.wait_dma2 semaphore(%arg16 : memref<!tpu.dma_semaphore, #tpu.memory_space<semaphore_mem>>) src(%dma_wait3A_48 : memref<80x128xf32, #tpu.memory_space<hbm>>) dst(%arg6 : memref<80x128xf32, #tpu.memory_space<vmem>>)
    %add3A_49 = arith.constant 0 : i32
    %add3A_50 = arith.addi %mul3A_2, %add3A_49 : i32
    %dma_start3A_51 = arith.constant 0 : i32
    %dma_start3A_52 = tpu.memref_slice %arg4[%add3A_50, %dma_start3A_51] : memref<204800x128xf32, #tpu.memory_space<hbm>> -> memref<80x128xf32, #tpu.memory_space<hbm>>
    %dma_start3A_53 = arith.constant 0 : i32
    %dma_start3A_54 = tpu.memref_slice %arg4[%add3A_50, %dma_start3A_53] : memref<204800x128xf32, #tpu.memory_space<hbm>> -> memref<80x128xf32, #tpu.memory_space<hbm>>
    tpu.enqueue_dma source(%arg6 : memref<80x128xf32, #tpu.memory_space<vmem>>) target(%dma_start3A_54 : memref<80x128xf32, #tpu.memory_space<hbm>>) target_semaphore(%arg26 : memref<!tpu.dma_semaphore, #tpu.memory_space<semaphore_mem>>)
    %dma_start3A_55 = arith.constant 6 : i32
    %dma_start3A_56 = arith.constant 0 : i32
    %dma_start3A_57 = tpu.memref_slice %arg5[%dma_start3A_55, %dma_start3A_56] : memref<80x80xi32, #tpu.memory_space<vmem>> -> memref<1x80xi32, #tpu.memory_space<vmem>>
    %dma_start3A_58 = tpu.memref_squeeze %dma_start3A_57 : memref<1x80xi32, #tpu.memory_space<vmem>> -> memref<80xi32, #tpu.memory_space<vmem>>
    %dma_start3A_59 = arith.constant 0 : i32
    %dma_start3A_60 = arith.constant 0 : i32
    %dma_start3A_61 = tpu.memref_slice %arg3[%dma_start3A_59, %dma_start3A_60] : memref<100000x128xf32, #tpu.memory_space<hbm>> -> memref<100000x128xf32, #tpu.memory_space<hbm>>
    tpu.enqueue_indirect_dma source(%dma_start3A_61 : memref<100000x128xf32, #tpu.memory_space<hbm>>) target(%arg12 : memref<80x128xf32, #tpu.memory_space<vmem>>) offsets(%dma_start3A_58 : memref<80xi32, #tpu.memory_space<vmem>>) semaphore(%arg22 : memref<!tpu.dma_semaphore, #tpu.memory_space<semaphore_mem>>)
    %dma_wait3A_62 = arith.constant 0 : i32
    %dma_wait3A_63 = arith.constant 0 : i32
    %dma_wait3A_64 = tpu.memref_slice %arg3[%dma_wait3A_62, %dma_wait3A_63] : memref<100000x128xf32, #tpu.memory_space<hbm>> -> memref<80x128xf32, #tpu.memory_space<hbm>>
    %dma_wait3A_65 = arith.constant 0 : i32
    %dma_wait3A_66 = arith.constant 0 : i32
    %dma_wait3A_67 = tpu.memref_slice %arg3[%dma_wait3A_65, %dma_wait3A_66] : memref<100000x128xf32, #tpu.memory_space<hbm>> -> memref<80x128xf32, #tpu.memory_space<hbm>>
    tpu.wait_dma2 semaphore(%arg17 : memref<!tpu.dma_semaphore, #tpu.memory_space<semaphore_mem>>) src(%dma_wait3A_67 : memref<80x128xf32, #tpu.memory_space<hbm>>) dst(%arg7 : memref<80x128xf32, #tpu.memory_space<vmem>>)
    %add3A_68 = arith.constant 80 : i32
    %add3A_69 = arith.addi %mul3A_2, %add3A_68 : i32
    %dma_start3A_70 = arith.constant 0 : i32
    %dma_start3A_71 = tpu.memref_slice %arg4[%add3A_69, %dma_start3A_70] : memref<204800x128xf32, #tpu.memory_space<hbm>> -> memref<80x128xf32, #tpu.memory_space<hbm>>
    %dma_start3A_72 = arith.constant 0 : i32
    %dma_start3A_73 = tpu.memref_slice %arg4[%add3A_69, %dma_start3A_72] : memref<204800x128xf32, #tpu.memory_space<hbm>> -> memref<80x128xf32, #tpu.memory_space<hbm>>
    tpu.enqueue_dma source(%arg7 : memref<80x128xf32, #tpu.memory_space<vmem>>) target(%dma_start3A_73 : memref<80x128xf32, #tpu.memory_space<hbm>>) target_semaphore(%arg27 : memref<!tpu.dma_semaphore, #tpu.memory_space<semaphore_mem>>)
    %dma_start3A_74 = arith.constant 7 : i32
    %dma_start3A_75 = arith.constant 0 : i32
    %dma_start3A_76 = tpu.memref_slice %arg5[%dma_start3A_74, %dma_start3A_75] : memref<80x80xi32, #tpu.memory_space<vmem>> -> memref<1x80xi32, #tpu.memory_space<vmem>>
    %dma_start3A_77 = tpu.memref_squeeze %dma_start3A_76 : memref<1x80xi32, #tpu.memory_space<vmem>> -> memref<80xi32, #tpu.memory_space<vmem>>
    %dma_start3A_78 = arith.constant 0 : i32
    %dma_start3A_79 = arith.constant 0 : i32
    %dma_start3A_80 = tpu.memref_slice %arg3[%dma_start3A_78, %dma_start3A_79] : memref<100000x128xf32, #tpu.memory_space<hbm>> -> memref<100000x128xf32, #tpu.memory_space<hbm>>
    tpu.enqueue_indirect_dma source(%dma_start3A_80 : memref<100000x128xf32, #tpu.memory_space<hbm>>) target(%arg13 : memref<80x128xf32, #tpu.memory_space<vmem>>) offsets(%dma_start3A_77 : memref<80xi32, #tpu.memory_space<vmem>>) semaphore(%arg23 : memref<!tpu.dma_semaphore, #tpu.memory_space<semaphore_mem>>)
    %dma_wait3A_81 = arith.constant 0 : i32
    %dma_wait3A_82 = arith.constant 0 : i32
    %dma_wait3A_83 = tpu.memref_slice %arg3[%dma_wait3A_81, %dma_wait3A_82] : memref<100000x128xf32, #tpu.memory_space<hbm>> -> memref<80x128xf32, #tpu.memory_space<hbm>>
    %dma_wait3A_84 = arith.constant 0 : i32
    %dma_wait3A_85 = arith.constant 0 : i32
    %dma_wait3A_86 = tpu.memref_slice %arg3[%dma_wait3A_84, %dma_wait3A_85] : memref<100000x128xf32, #tpu.memory_space<hbm>> -> memref<80x128xf32, #tpu.memory_space<hbm>>
    tpu.wait_dma2 semaphore(%arg18 : memref<!tpu.dma_semaphore, #tpu.memory_space<semaphore_mem>>) src(%dma_wait3A_86 : memref<80x128xf32, #tpu.memory_space<hbm>>) dst(%arg8 : memref<80x128xf32, #tpu.memory_space<vmem>>)
    %add3A_87 = arith.constant 160 : i32
    %add3A_88 = arith.addi %mul3A_2, %add3A_87 : i32
    %dma_start3A_89 = arith.constant 0 : i32
    %dma_start3A_90 = tpu.memref_slice %arg4[%add3A_88, %dma_start3A_89] : memref<204800x128xf32, #tpu.memory_space<hbm>> -> memref<80x128xf32, #tpu.memory_space<hbm>>
    %dma_start3A_91 = arith.constant 0 : i32
    %dma_start3A_92 = tpu.memref_slice %arg4[%add3A_88, %dma_start3A_91] : memref<204800x128xf32, #tpu.memory_space<hbm>> -> memref<80x128xf32, #tpu.memory_space<hbm>>
    tpu.enqueue_dma source(%arg8 : memref<80x128xf32, #tpu.memory_space<vmem>>) target(%dma_start3A_92 : memref<80x128xf32, #tpu.memory_space<hbm>>) target_semaphore(%arg28 : memref<!tpu.dma_semaphore, #tpu.memory_space<semaphore_mem>>)
    %dma_start3A_93 = arith.constant 8 : i32
    %dma_start3A_94 = arith.constant 0 : i32
    %dma_start3A_95 = tpu.memref_slice %arg5[%dma_start3A_93, %dma_start3A_94] : memref<80x80xi32, #tpu.memory_space<vmem>> -> memref<1x80xi32, #tpu.memory_space<vmem>>
    %dma_start3A_96 = tpu.memref_squeeze %dma_start3A_95 : memref<1x80xi32, #tpu.memory_space<vmem>> -> memref<80xi32, #tpu.memory_space<vmem>>
    %dma_start3A_97 = arith.constant 0 : i32
    %dma_start3A_98 = arith.constant 0 : i32
    %dma_start3A_99 = tpu.memref_slice %arg3[%dma_start3A_97, %dma_start3A_98] : memref<100000x128xf32, #tpu.memory_space<hbm>> -> memref<100000x128xf32, #tpu.memory_space<hbm>>
    tpu.enqueue_indirect_dma source(%dma_start3A_99 : memref<100000x128xf32, #tpu.memory_space<hbm>>) target(%arg14 : memref<80x128xf32, #tpu.memory_space<vmem>>) offsets(%dma_start3A_96 : memref<80xi32, #tpu.memory_space<vmem>>) semaphore(%arg24 : memref<!tpu.dma_semaphore, #tpu.memory_space<semaphore_mem>>)
    %dma_wait3A_100 = arith.constant 0 : i32
    %dma_wait3A_101 = arith.constant 0 : i32
    %dma_wait3A_102 = tpu.memref_slice %arg3[%dma_wait3A_100, %dma_wait3A_101] : memref<100000x128xf32, #tpu.memory_space<hbm>> -> memref<80x128xf32, #tpu.memory_space<hbm>>
    %dma_wait3A_103 = arith.constant 0 : i32
    %dma_wait3A_104 = arith.constant 0 : i32
    %dma_wait3A_105 = tpu.memref_slice %arg3[%dma_wait3A_103, %dma_wait3A_104] : memref<100000x128xf32, #tpu.memory_space<hbm>> -> memref<80x128xf32, #tpu.memory_space<hbm>>
    tpu.wait_dma2 semaphore(%arg19 : memref<!tpu.dma_semaphore, #tpu.memory_space<semaphore_mem>>) src(%dma_wait3A_105 : memref<80x128xf32, #tpu.memory_space<hbm>>) dst(%arg9 : memref<80x128xf32, #tpu.memory_space<vmem>>)
    %add3A_106 = arith.constant 240 : i32
    %add3A_107 = arith.addi %mul3A_2, %add3A_106 : i32
    %dma_start3A_108 = arith.constant 0 : i32
    %dma_start3A_109 = tpu.memref_slice %arg4[%add3A_107, %dma_start3A_108] : memref<204800x128xf32, #tpu.memory_space<hbm>> -> memref<80x128xf32, #tpu.memory_space<hbm>>
    %dma_start3A_110 = arith.constant 0 : i32
    %dma_start3A_111 = tpu.memref_slice %arg4[%add3A_107, %dma_start3A_110] : memref<204800x128xf32, #tpu.memory_space<hbm>> -> memref<80x128xf32, #tpu.memory_space<hbm>>
    tpu.enqueue_dma source(%arg9 : memref<80x128xf32, #tpu.memory_space<vmem>>) target(%dma_start3A_111 : memref<80x128xf32, #tpu.memory_space<hbm>>) target_semaphore(%arg29 : memref<!tpu.dma_semaphore, #tpu.memory_space<semaphore_mem>>)
    %dma_start3A_112 = arith.constant 9 : i32
    %dma_start3A_113 = arith.constant 0 : i32
    %dma_start3A_114 = tpu.memref_slice %arg5[%dma_start3A_112, %dma_start3A_113] : memref<80x80xi32, #tpu.memory_space<vmem>> -> memref<1x80xi32, #tpu.memory_space<vmem>>
    %dma_start3A_115 = tpu.memref_squeeze %dma_start3A_114 : memref<1x80xi32, #tpu.memory_space<vmem>> -> memref<80xi32, #tpu.memory_space<vmem>>
    %dma_start3A_116 = arith.constant 0 : i32
    %dma_start3A_117 = arith.constant 0 : i32
    %dma_start3A_118 = tpu.memref_slice %arg3[%dma_start3A_116, %dma_start3A_117] : memref<100000x128xf32, #tpu.memory_space<hbm>> -> memref<100000x128xf32, #tpu.memory_space<hbm>>
    tpu.enqueue_indirect_dma source(%dma_start3A_118 : memref<100000x128xf32, #tpu.memory_space<hbm>>) target(%arg15 : memref<80x128xf32, #tpu.memory_space<vmem>>) offsets(%dma_start3A_115 : memref<80xi32, #tpu.memory_space<vmem>>) semaphore(%arg25 : memref<!tpu.dma_semaphore, #tpu.memory_space<semaphore_mem>>)
    %dma_wait3A_119 = arith.constant 0 : i32
    %dma_wait3A_120 = arith.constant 0 : i32
    %dma_wait3A_121 = tpu.memref_slice %arg3[%dma_wait3A_119, %dma_wait3A_120] : memref<100000x128xf32, #tpu.memory_space<hbm>> -> memref<80x128xf32, #tpu.memory_space<hbm>>
    %dma_wait3A_122 = arith.constant 0 : i32
    %dma_wait3A_123 = arith.constant 0 : i32
    %dma_wait3A_124 = tpu.memref_slice %arg3[%dma_wait3A_122, %dma_wait3A_123] : memref<100000x128xf32, #tpu.memory_space<hbm>> -> memref<80x128xf32, #tpu.memory_space<hbm>>
    tpu.wait_dma2 semaphore(%arg20 : memref<!tpu.dma_semaphore, #tpu.memory_space<semaphore_mem>>) src(%dma_wait3A_124 : memref<80x128xf32, #tpu.memory_space<hbm>>) dst(%arg10 : memref<80x128xf32, #tpu.memory_space<vmem>>)
    %add3A_125 = arith.constant 320 : i32
    %add3A_126 = arith.addi %mul3A_2, %add3A_125 : i32
    %dma_start3A_127 = arith.constant 0 : i32
    %dma_start3A_128 = tpu.memref_slice %arg4[%add3A_126, %dma_start3A_127] : memref<204800x128xf32, #tpu.memory_space<hbm>> -> memref<80x128xf32, #tpu.memory_space<hbm>>
    %dma_start3A_129 = arith.constant 0 : i32
    %dma_start3A_130 = tpu.memref_slice %arg4[%add3A_126, %dma_start3A_129] : memref<204800x128xf32, #tpu.memory_space<hbm>> -> memref<80x128xf32, #tpu.memory_space<hbm>>
    tpu.enqueue_dma source(%arg10 : memref<80x128xf32, #tpu.memory_space<vmem>>) target(%dma_start3A_130 : memref<80x128xf32, #tpu.memory_space<hbm>>) target_semaphore(%arg30 : memref<!tpu.dma_semaphore, #tpu.memory_space<semaphore_mem>>)
    %scan3A = arith.constant 0 : i32
    %scan3A_131 = arith.constant 7 : i32
    %scan3A_132 = arith.addi %scan3A, %scan3A_131 : i32
    %scan3A_133 = arith.constant 1 : i32
    scf.for %scan3A_235 = %scan3A to %scan3A_132 step %scan3A_133  : i32 {
      %mul3A_236 = arith.constant 10 : i32
      %mul3A_237 = arith.muli %scan3A_235, %mul3A_236 : i32
      %add3A_238 = arith.constant 5 : i32
      %add3A_239 = arith.addi %add3A_238, %mul3A_237 : i32
      %add3A_240 = arith.constant 0 : i32
      %add3A_241 = arith.addi %add3A_239, %add3A_240 : i32
      %dma_wait3A_242 = arith.constant 0 : i32
      %dma_wait3A_243 = tpu.memref_slice %arg4[%mul3A_2, %dma_wait3A_242] : memref<204800x128xf32, #tpu.memory_space<hbm>> -> memref<80x128xf32, #tpu.memory_space<hbm>>
      %dma_wait3A_244 = arith.constant 0 : i32
      %dma_wait3A_245 = tpu.memref_slice %arg4[%mul3A_2, %dma_wait3A_244] : memref<204800x128xf32, #tpu.memory_space<hbm>> -> memref<80x128xf32, #tpu.memory_space<hbm>>
      tpu.wait_dma2 semaphore(%arg26 : memref<!tpu.dma_semaphore, #tpu.memory_space<semaphore_mem>>) src(%arg6 : memref<80x128xf32, #tpu.memory_space<vmem>>) dst(%dma_wait3A_245 : memref<80x128xf32, #tpu.memory_space<hbm>>)
      %add3A_246 = arith.constant 5 : i32
      %add3A_247 = arith.addi %add3A_241, %add3A_246 : i32
      %dma_start3A_248 = arith.constant 0 : i32
      %dma_start3A_249 = tpu.memref_slice %arg5[%add3A_247, %dma_start3A_248] : memref<80x80xi32, #tpu.memory_space<vmem>> -> memref<1x80xi32, #tpu.memory_space<vmem>>
      %dma_start3A_250 = tpu.memref_squeeze %dma_start3A_249 : memref<1x80xi32, #tpu.memory_space<vmem>> -> memref<80xi32, #tpu.memory_space<vmem>>
      %dma_start3A_251 = arith.constant 0 : i32
      %dma_start3A_252 = arith.constant 0 : i32
      %dma_start3A_253 = tpu.memref_slice %arg3[%dma_start3A_251, %dma_start3A_252] : memref<100000x128xf32, #tpu.memory_space<hbm>> -> memref<100000x128xf32, #tpu.memory_space<hbm>>
      tpu.enqueue_indirect_dma source(%dma_start3A_253 : memref<100000x128xf32, #tpu.memory_space<hbm>>) target(%arg6 : memref<80x128xf32, #tpu.memory_space<vmem>>) offsets(%dma_start3A_250 : memref<80xi32, #tpu.memory_space<vmem>>) semaphore(%arg16 : memref<!tpu.dma_semaphore, #tpu.memory_space<semaphore_mem>>)
      %dma_wait3A_254 = arith.constant 0 : i32
      %dma_wait3A_255 = arith.constant 0 : i32
      %dma_wait3A_256 = tpu.memref_slice %arg3[%dma_wait3A_254, %dma_wait3A_255] : memref<100000x128xf32, #tpu.memory_space<hbm>> -> memref<80x128xf32, #tpu.memory_space<hbm>>
      %dma_wait3A_257 = arith.constant 0 : i32
      %dma_wait3A_258 = arith.constant 0 : i32
      %dma_wait3A_259 = tpu.memref_slice %arg3[%dma_wait3A_257, %dma_wait3A_258] : memref<100000x128xf32, #tpu.memory_space<hbm>> -> memref<80x128xf32, #tpu.memory_space<hbm>>
      tpu.wait_dma2 semaphore(%arg21 : memref<!tpu.dma_semaphore, #tpu.memory_space<semaphore_mem>>) src(%dma_wait3A_259 : memref<80x128xf32, #tpu.memory_space<hbm>>) dst(%arg11 : memref<80x128xf32, #tpu.memory_space<vmem>>)
      %mul3A_260 = arith.constant 80 : i32
      %mul3A_261 = arith.muli %add3A_241, %mul3A_260 : i32
      %add3A_262 = arith.addi %mul3A_2, %mul3A_261 : i32
      %dma_start3A_263 = arith.constant 0 : i32
      %dma_start3A_264 = tpu.memref_slice %arg4[%add3A_262, %dma_start3A_263] : memref<204800x128xf32, #tpu.memory_space<hbm>> -> memref<80x128xf32, #tpu.memory_space<hbm>>
      %dma_start3A_265 = arith.constant 0 : i32
      %dma_start3A_266 = tpu.memref_slice %arg4[%add3A_262, %dma_start3A_265] : memref<204800x128xf32, #tpu.memory_space<hbm>> -> memref<80x128xf32, #tpu.memory_space<hbm>>
      tpu.enqueue_dma source(%arg11 : memref<80x128xf32, #tpu.memory_space<vmem>>) target(%dma_start3A_266 : memref<80x128xf32, #tpu.memory_space<hbm>>) target_semaphore(%arg31 : memref<!tpu.dma_semaphore, #tpu.memory_space<semaphore_mem>>)
      %add3A_267 = arith.constant 1 : i32
      %add3A_268 = arith.addi %add3A_239, %add3A_267 : i32
      %dma_wait3A_269 = arith.constant 0 : i32
      %dma_wait3A_270 = tpu.memref_slice %arg4[%mul3A_2, %dma_wait3A_269] : memref<204800x128xf32, #tpu.memory_space<hbm>> -> memref<80x128xf32, #tpu.memory_space<hbm>>
      %dma_wait3A_271 = arith.constant 0 : i32
      %dma_wait3A_272 = tpu.memref_slice %arg4[%mul3A_2, %dma_wait3A_271] : memref<204800x128xf32, #tpu.memory_space<hbm>> -> memref<80x128xf32, #tpu.memory_space<hbm>>
      tpu.wait_dma2 semaphore(%arg27 : memref<!tpu.dma_semaphore, #tpu.memory_space<semaphore_mem>>) src(%arg7 : memref<80x128xf32, #tpu.memory_space<vmem>>) dst(%dma_wait3A_272 : memref<80x128xf32, #tpu.memory_space<hbm>>)
      %add3A_273 = arith.constant 5 : i32
      %add3A_274 = arith.addi %add3A_268, %add3A_273 : i32
      %dma_start3A_275 = arith.constant 0 : i32
      %dma_start3A_276 = tpu.memref_slice %arg5[%add3A_274, %dma_start3A_275] : memref<80x80xi32, #tpu.memory_space<vmem>> -> memref<1x80xi32, #tpu.memory_space<vmem>>
      %dma_start3A_277 = tpu.memref_squeeze %dma_start3A_276 : memref<1x80xi32, #tpu.memory_space<vmem>> -> memref<80xi32, #tpu.memory_space<vmem>>
      %dma_start3A_278 = arith.constant 0 : i32
      %dma_start3A_279 = arith.constant 0 : i32
      %dma_start3A_280 = tpu.memref_slice %arg3[%dma_start3A_278, %dma_start3A_279] : memref<100000x128xf32, #tpu.memory_space<hbm>> -> memref<100000x128xf32, #tpu.memory_space<hbm>>
      tpu.enqueue_indirect_dma source(%dma_start3A_280 : memref<100000x128xf32, #tpu.memory_space<hbm>>) target(%arg7 : memref<80x128xf32, #tpu.memory_space<vmem>>) offsets(%dma_start3A_277 : memref<80xi32, #tpu.memory_space<vmem>>) semaphore(%arg17 : memref<!tpu.dma_semaphore, #tpu.memory_space<semaphore_mem>>)
      %dma_wait3A_281 = arith.constant 0 : i32
      %dma_wait3A_282 = arith.constant 0 : i32
      %dma_wait3A_283 = tpu.memref_slice %arg3[%dma_wait3A_281, %dma_wait3A_282] : memref<100000x128xf32, #tpu.memory_space<hbm>> -> memref<80x128xf32, #tpu.memory_space<hbm>>
      %dma_wait3A_284 = arith.constant 0 : i32
      %dma_wait3A_285 = arith.constant 0 : i32
      %dma_wait3A_286 = tpu.memref_slice %arg3[%dma_wait3A_284, %dma_wait3A_285] : memref<100000x128xf32, #tpu.memory_space<hbm>> -> memref<80x128xf32, #tpu.memory_space<hbm>>
      tpu.wait_dma2 semaphore(%arg22 : memref<!tpu.dma_semaphore, #tpu.memory_space<semaphore_mem>>) src(%dma_wait3A_286 : memref<80x128xf32, #tpu.memory_space<hbm>>) dst(%arg12 : memref<80x128xf32, #tpu.memory_space<vmem>>)
      %mul3A_287 = arith.constant 80 : i32
      %mul3A_288 = arith.muli %add3A_268, %mul3A_287 : i32
      %add3A_289 = arith.addi %mul3A_2, %mul3A_288 : i32
      %dma_start3A_290 = arith.constant 0 : i32
      %dma_start3A_291 = tpu.memref_slice %arg4[%add3A_289, %dma_start3A_290] : memref<204800x128xf32, #tpu.memory_space<hbm>> -> memref<80x128xf32, #tpu.memory_space<hbm>>
      %dma_start3A_292 = arith.constant 0 : i32
      %dma_start3A_293 = tpu.memref_slice %arg4[%add3A_289, %dma_start3A_292] : memref<204800x128xf32, #tpu.memory_space<hbm>> -> memref<80x128xf32, #tpu.memory_space<hbm>>
      tpu.enqueue_dma source(%arg12 : memref<80x128xf32, #tpu.memory_space<vmem>>) target(%dma_start3A_293 : memref<80x128xf32, #tpu.memory_space<hbm>>) target_semaphore(%arg32 : memref<!tpu.dma_semaphore, #tpu.memory_space<semaphore_mem>>)
      %add3A_294 = arith.constant 2 : i32
      %add3A_295 = arith.addi %add3A_239, %add3A_294 : i32
      %dma_wait3A_296 = arith.constant 0 : i32
      %dma_wait3A_297 = tpu.memref_slice %arg4[%mul3A_2, %dma_wait3A_296] : memref<204800x128xf32, #tpu.memory_space<hbm>> -> memref<80x128xf32, #tpu.memory_space<hbm>>
      %dma_wait3A_298 = arith.constant 0 : i32
      %dma_wait3A_299 = tpu.memref_slice %arg4[%mul3A_2, %dma_wait3A_298] : memref<204800x128xf32, #tpu.memory_space<hbm>> -> memref<80x128xf32, #tpu.memory_space<hbm>>
      tpu.wait_dma2 semaphore(%arg28 : memref<!tpu.dma_semaphore, #tpu.memory_space<semaphore_mem>>) src(%arg8 : memref<80x128xf32, #tpu.memory_space<vmem>>) dst(%dma_wait3A_299 : memref<80x128xf32, #tpu.memory_space<hbm>>)
      %add3A_300 = arith.constant 5 : i32
      %add3A_301 = arith.addi %add3A_295, %add3A_300 : i32
      %dma_start3A_302 = arith.constant 0 : i32
      %dma_start3A_303 = tpu.memref_slice %arg5[%add3A_301, %dma_start3A_302] : memref<80x80xi32, #tpu.memory_space<vmem>> -> memref<1x80xi32, #tpu.memory_space<vmem>>
      %dma_start3A_304 = tpu.memref_squeeze %dma_start3A_303 : memref<1x80xi32, #tpu.memory_space<vmem>> -> memref<80xi32, #tpu.memory_space<vmem>>
      %dma_start3A_305 = arith.constant 0 : i32
      %dma_start3A_306 = arith.constant 0 : i32
      %dma_start3A_307 = tpu.memref_slice %arg3[%dma_start3A_305, %dma_start3A_306] : memref<100000x128xf32, #tpu.memory_space<hbm>> -> memref<100000x128xf32, #tpu.memory_space<hbm>>
      tpu.enqueue_indirect_dma source(%dma_start3A_307 : memref<100000x128xf32, #tpu.memory_space<hbm>>) target(%arg8 : memref<80x128xf32, #tpu.memory_space<vmem>>) offsets(%dma_start3A_304 : memref<80xi32, #tpu.memory_space<vmem>>) semaphore(%arg18 : memref<!tpu.dma_semaphore, #tpu.memory_space<semaphore_mem>>)
      %dma_wait3A_308 = arith.constant 0 : i32
      %dma_wait3A_309 = arith.constant 0 : i32
      %dma_wait3A_310 = tpu.memref_slice %arg3[%dma_wait3A_308, %dma_wait3A_309] : memref<100000x128xf32, #tpu.memory_space<hbm>> -> memref<80x128xf32, #tpu.memory_space<hbm>>
      %dma_wait3A_311 = arith.constant 0 : i32
      %dma_wait3A_312 = arith.constant 0 : i32
      %dma_wait3A_313 = tpu.memref_slice %arg3[%dma_wait3A_311, %dma_wait3A_312] : memref<100000x128xf32, #tpu.memory_space<hbm>> -> memref<80x128xf32, #tpu.memory_space<hbm>>
      tpu.wait_dma2 semaphore(%arg23 : memref<!tpu.dma_semaphore, #tpu.memory_space<semaphore_mem>>) src(%dma_wait3A_313 : memref<80x128xf32, #tpu.memory_space<hbm>>) dst(%arg13 : memref<80x128xf32, #tpu.memory_space<vmem>>)
      %mul3A_314 = arith.constant 80 : i32
      %mul3A_315 = arith.muli %add3A_295, %mul3A_314 : i32
      %add3A_316 = arith.addi %mul3A_2, %mul3A_315 : i32
      %dma_start3A_317 = arith.constant 0 : i32
      %dma_start3A_318 = tpu.memref_slice %arg4[%add3A_316, %dma_start3A_317] : memref<204800x128xf32, #tpu.memory_space<hbm>> -> memref<80x128xf32, #tpu.memory_space<hbm>>
      %dma_start3A_319 = arith.constant 0 : i32
      %dma_start3A_320 = tpu.memref_slice %arg4[%add3A_316, %dma_start3A_319] : memref<204800x128xf32, #tpu.memory_space<hbm>> -> memref<80x128xf32, #tpu.memory_space<hbm>>
      tpu.enqueue_dma source(%arg13 : memref<80x128xf32, #tpu.memory_space<vmem>>) target(%dma_start3A_320 : memref<80x128xf32, #tpu.memory_space<hbm>>) target_semaphore(%arg33 : memref<!tpu.dma_semaphore, #tpu.memory_space<semaphore_mem>>)
      %add3A_321 = arith.constant 3 : i32
      %add3A_322 = arith.addi %add3A_239, %add3A_321 : i32
      %dma_wait3A_323 = arith.constant 0 : i32
      %dma_wait3A_324 = tpu.memref_slice %arg4[%mul3A_2, %dma_wait3A_323] : memref<204800x128xf32, #tpu.memory_space<hbm>> -> memref<80x128xf32, #tpu.memory_space<hbm>>
      %dma_wait3A_325 = arith.constant 0 : i32
      %dma_wait3A_326 = tpu.memref_slice %arg4[%mul3A_2, %dma_wait3A_325] : memref<204800x128xf32, #tpu.memory_space<hbm>> -> memref<80x128xf32, #tpu.memory_space<hbm>>
      tpu.wait_dma2 semaphore(%arg29 : memref<!tpu.dma_semaphore, #tpu.memory_space<semaphore_mem>>) src(%arg9 : memref<80x128xf32, #tpu.memory_space<vmem>>) dst(%dma_wait3A_326 : memref<80x128xf32, #tpu.memory_space<hbm>>)
      %add3A_327 = arith.constant 5 : i32
      %add3A_328 = arith.addi %add3A_322, %add3A_327 : i32
      %dma_start3A_329 = arith.constant 0 : i32
      %dma_start3A_330 = tpu.memref_slice %arg5[%add3A_328, %dma_start3A_329] : memref<80x80xi32, #tpu.memory_space<vmem>> -> memref<1x80xi32, #tpu.memory_space<vmem>>
      %dma_start3A_331 = tpu.memref_squeeze %dma_start3A_330 : memref<1x80xi32, #tpu.memory_space<vmem>> -> memref<80xi32, #tpu.memory_space<vmem>>
      %dma_start3A_332 = arith.constant 0 : i32
      %dma_start3A_333 = arith.constant 0 : i32
      %dma_start3A_334 = tpu.memref_slice %arg3[%dma_start3A_332, %dma_start3A_333] : memref<100000x128xf32, #tpu.memory_space<hbm>> -> memref<100000x128xf32, #tpu.memory_space<hbm>>
      tpu.enqueue_indirect_dma source(%dma_start3A_334 : memref<100000x128xf32, #tpu.memory_space<hbm>>) target(%arg9 : memref<80x128xf32, #tpu.memory_space<vmem>>) offsets(%dma_start3A_331 : memref<80xi32, #tpu.memory_space<vmem>>) semaphore(%arg19 : memref<!tpu.dma_semaphore, #tpu.memory_space<semaphore_mem>>)
      %dma_wait3A_335 = arith.constant 0 : i32
      %dma_wait3A_336 = arith.constant 0 : i32
      %dma_wait3A_337 = tpu.memref_slice %arg3[%dma_wait3A_335, %dma_wait3A_336] : memref<100000x128xf32, #tpu.memory_space<hbm>> -> memref<80x128xf32, #tpu.memory_space<hbm>>
      %dma_wait3A_338 = arith.constant 0 : i32
      %dma_wait3A_339 = arith.constant 0 : i32
      %dma_wait3A_340 = tpu.memref_slice %arg3[%dma_wait3A_338, %dma_wait3A_339] : memref<100000x128xf32, #tpu.memory_space<hbm>> -> memref<80x128xf32, #tpu.memory_space<hbm>>
      tpu.wait_dma2 semaphore(%arg24 : memref<!tpu.dma_semaphore, #tpu.memory_space<semaphore_mem>>) src(%dma_wait3A_340 : memref<80x128xf32, #tpu.memory_space<hbm>>) dst(%arg14 : memref<80x128xf32, #tpu.memory_space<vmem>>)
      %mul3A_341 = arith.constant 80 : i32
      %mul3A_342 = arith.muli %add3A_322, %mul3A_341 : i32
      %add3A_343 = arith.addi %mul3A_2, %mul3A_342 : i32
      %dma_start3A_344 = arith.constant 0 : i32
      %dma_start3A_345 = tpu.memref_slice %arg4[%add3A_343, %dma_start3A_344] : memref<204800x128xf32, #tpu.memory_space<hbm>> -> memref<80x128xf32, #tpu.memory_space<hbm>>
      %dma_start3A_346 = arith.constant 0 : i32
      %dma_start3A_347 = tpu.memref_slice %arg4[%add3A_343, %dma_start3A_346] : memref<204800x128xf32, #tpu.memory_space<hbm>> -> memref<80x128xf32, #tpu.memory_space<hbm>>
      tpu.enqueue_dma source(%arg14 : memref<80x128xf32, #tpu.memory_space<vmem>>) target(%dma_start3A_347 : memref<80x128xf32, #tpu.memory_space<hbm>>) target_semaphore(%arg34 : memref<!tpu.dma_semaphore, #tpu.memory_space<semaphore_mem>>)
      %add3A_348 = arith.constant 4 : i32
      %add3A_349 = arith.addi %add3A_239, %add3A_348 : i32
      %dma_wait3A_350 = arith.constant 0 : i32
      %dma_wait3A_351 = tpu.memref_slice %arg4[%mul3A_2, %dma_wait3A_350] : memref<204800x128xf32, #tpu.memory_space<hbm>> -> memref<80x128xf32, #tpu.memory_space<hbm>>
      %dma_wait3A_352 = arith.constant 0 : i32
      %dma_wait3A_353 = tpu.memref_slice %arg4[%mul3A_2, %dma_wait3A_352] : memref<204800x128xf32, #tpu.memory_space<hbm>> -> memref<80x128xf32, #tpu.memory_space<hbm>>
      tpu.wait_dma2 semaphore(%arg30 : memref<!tpu.dma_semaphore, #tpu.memory_space<semaphore_mem>>) src(%arg10 : memref<80x128xf32, #tpu.memory_space<vmem>>) dst(%dma_wait3A_353 : memref<80x128xf32, #tpu.memory_space<hbm>>)
      %add3A_354 = arith.constant 5 : i32
      %add3A_355 = arith.addi %add3A_349, %add3A_354 : i32
      %dma_start3A_356 = arith.constant 0 : i32
      %dma_start3A_357 = tpu.memref_slice %arg5[%add3A_355, %dma_start3A_356] : memref<80x80xi32, #tpu.memory_space<vmem>> -> memref<1x80xi32, #tpu.memory_space<vmem>>
      %dma_start3A_358 = tpu.memref_squeeze %dma_start3A_357 : memref<1x80xi32, #tpu.memory_space<vmem>> -> memref<80xi32, #tpu.memory_space<vmem>>
      %dma_start3A_359 = arith.constant 0 : i32
      %dma_start3A_360 = arith.constant 0 : i32
      %dma_start3A_361 = tpu.memref_slice %arg3[%dma_start3A_359, %dma_start3A_360] : memref<100000x128xf32, #tpu.memory_space<hbm>> -> memref<100000x128xf32, #tpu.memory_space<hbm>>
      tpu.enqueue_indirect_dma source(%dma_start3A_361 : memref<100000x128xf32, #tpu.memory_space<hbm>>) target(%arg10 : memref<80x128xf32, #tpu.memory_space<vmem>>) offsets(%dma_start3A_358 : memref<80xi32, #tpu.memory_space<vmem>>) semaphore(%arg20 : memref<!tpu.dma_semaphore, #tpu.memory_space<semaphore_mem>>)
      %dma_wait3A_362 = arith.constant 0 : i32
      %dma_wait3A_363 = arith.constant 0 : i32
      %dma_wait3A_364 = tpu.memref_slice %arg3[%dma_wait3A_362, %dma_wait3A_363] : memref<100000x128xf32, #tpu.memory_space<hbm>> -> memref<80x128xf32, #tpu.memory_space<hbm>>
      %dma_wait3A_365 = arith.constant 0 : i32
      %dma_wait3A_366 = arith.constant 0 : i32
      %dma_wait3A_367 = tpu.memref_slice %arg3[%dma_wait3A_365, %dma_wait3A_366] : memref<100000x128xf32, #tpu.memory_space<hbm>> -> memref<80x128xf32, #tpu.memory_space<hbm>>
      tpu.wait_dma2 semaphore(%arg25 : memref<!tpu.dma_semaphore, #tpu.memory_space<semaphore_mem>>) src(%dma_wait3A_367 : memref<80x128xf32, #tpu.memory_space<hbm>>) dst(%arg15 : memref<80x128xf32, #tpu.memory_space<vmem>>)
      %mul3A_368 = arith.constant 80 : i32
      %mul3A_369 = arith.muli %add3A_349, %mul3A_368 : i32
      %add3A_370 = arith.addi %mul3A_2, %mul3A_369 : i32
      %dma_start3A_371 = arith.constant 0 : i32
      %dma_start3A_372 = tpu.memref_slice %arg4[%add3A_370, %dma_start3A_371] : memref<204800x128xf32, #tpu.memory_space<hbm>> -> memref<80x128xf32, #tpu.memory_space<hbm>>
      %dma_start3A_373 = arith.constant 0 : i32
      %dma_start3A_374 = tpu.memref_slice %arg4[%add3A_370, %dma_start3A_373] : memref<204800x128xf32, #tpu.memory_space<hbm>> -> memref<80x128xf32, #tpu.memory_space<hbm>>
      tpu.enqueue_dma source(%arg15 : memref<80x128xf32, #tpu.memory_space<vmem>>) target(%dma_start3A_374 : memref<80x128xf32, #tpu.memory_space<hbm>>) target_semaphore(%arg35 : memref<!tpu.dma_semaphore, #tpu.memory_space<semaphore_mem>>)
      %add3A_375 = arith.constant 5 : i32
      %add3A_376 = arith.addi %add3A_239, %add3A_375 : i32
      %dma_wait3A_377 = arith.constant 0 : i32
      %dma_wait3A_378 = tpu.memref_slice %arg4[%mul3A_2, %dma_wait3A_377] : memref<204800x128xf32, #tpu.memory_space<hbm>> -> memref<80x128xf32, #tpu.memory_space<hbm>>
      %dma_wait3A_379 = arith.constant 0 : i32
      %dma_wait3A_380 = tpu.memref_slice %arg4[%mul3A_2, %dma_wait3A_379] : memref<204800x128xf32, #tpu.memory_space<hbm>> -> memref<80x128xf32, #tpu.memory_space<hbm>>
      tpu.wait_dma2 semaphore(%arg31 : memref<!tpu.dma_semaphore, #tpu.memory_space<semaphore_mem>>) src(%arg11 : memref<80x128xf32, #tpu.memory_space<vmem>>) dst(%dma_wait3A_380 : memref<80x128xf32, #tpu.memory_space<hbm>>)
      %add3A_381 = arith.constant 5 : i32
      %add3A_382 = arith.addi %add3A_376, %add3A_381 : i32
      %dma_start3A_383 = arith.constant 0 : i32
      %dma_start3A_384 = tpu.memref_slice %arg5[%add3A_382, %dma_start3A_383] : memref<80x80xi32, #tpu.memory_space<vmem>> -> memref<1x80xi32, #tpu.memory_space<vmem>>
      %dma_start3A_385 = tpu.memref_squeeze %dma_start3A_384 : memref<1x80xi32, #tpu.memory_space<vmem>> -> memref<80xi32, #tpu.memory_space<vmem>>
      %dma_start3A_386 = arith.constant 0 : i32
      %dma_start3A_387 = arith.constant 0 : i32
      %dma_start3A_388 = tpu.memref_slice %arg3[%dma_start3A_386, %dma_start3A_387] : memref<100000x128xf32, #tpu.memory_space<hbm>> -> memref<100000x128xf32, #tpu.memory_space<hbm>>
      tpu.enqueue_indirect_dma source(%dma_start3A_388 : memref<100000x128xf32, #tpu.memory_space<hbm>>) target(%arg11 : memref<80x128xf32, #tpu.memory_space<vmem>>) offsets(%dma_start3A_385 : memref<80xi32, #tpu.memory_space<vmem>>) semaphore(%arg21 : memref<!tpu.dma_semaphore, #tpu.memory_space<semaphore_mem>>)
      %dma_wait3A_389 = arith.constant 0 : i32
      %dma_wait3A_390 = arith.constant 0 : i32
      %dma_wait3A_391 = tpu.memref_slice %arg3[%dma_wait3A_389, %dma_wait3A_390] : memref<100000x128xf32, #tpu.memory_space<hbm>> -> memref<80x128xf32, #tpu.memory_space<hbm>>
      %dma_wait3A_392 = arith.constant 0 : i32
      %dma_wait3A_393 = arith.constant 0 : i32
      %dma_wait3A_394 = tpu.memref_slice %arg3[%dma_wait3A_392, %dma_wait3A_393] : memref<100000x128xf32, #tpu.memory_space<hbm>> -> memref<80x128xf32, #tpu.memory_space<hbm>>
      tpu.wait_dma2 semaphore(%arg16 : memref<!tpu.dma_semaphore, #tpu.memory_space<semaphore_mem>>) src(%dma_wait3A_394 : memref<80x128xf32, #tpu.memory_space<hbm>>) dst(%arg6 : memref<80x128xf32, #tpu.memory_space<vmem>>)
      %mul3A_395 = arith.constant 80 : i32
      %mul3A_396 = arith.muli %add3A_376, %mul3A_395 : i32
      %add3A_397 = arith.addi %mul3A_2, %mul3A_396 : i32
      %dma_start3A_398 = arith.constant 0 : i32
      %dma_start3A_399 = tpu.memref_slice %arg4[%add3A_397, %dma_start3A_398] : memref<204800x128xf32, #tpu.memory_space<hbm>> -> memref<80x128xf32, #tpu.memory_space<hbm>>
      %dma_start3A_400 = arith.constant 0 : i32
      %dma_start3A_401 = tpu.memref_slice %arg4[%add3A_397, %dma_start3A_400] : memref<204800x128xf32, #tpu.memory_space<hbm>> -> memref<80x128xf32, #tpu.memory_space<hbm>>
      tpu.enqueue_dma source(%arg6 : memref<80x128xf32, #tpu.memory_space<vmem>>) target(%dma_start3A_401 : memref<80x128xf32, #tpu.memory_space<hbm>>) target_semaphore(%arg26 : memref<!tpu.dma_semaphore, #tpu.memory_space<semaphore_mem>>)
      %add3A_402 = arith.constant 6 : i32
      %add3A_403 = arith.addi %add3A_239, %add3A_402 : i32
      %dma_wait3A_404 = arith.constant 0 : i32
      %dma_wait3A_405 = tpu.memref_slice %arg4[%mul3A_2, %dma_wait3A_404] : memref<204800x128xf32, #tpu.memory_space<hbm>> -> memref<80x128xf32, #tpu.memory_space<hbm>>
      %dma_wait3A_406 = arith.constant 0 : i32
      %dma_wait3A_407 = tpu.memref_slice %arg4[%mul3A_2, %dma_wait3A_406] : memref<204800x128xf32, #tpu.memory_space<hbm>> -> memref<80x128xf32, #tpu.memory_space<hbm>>
      tpu.wait_dma2 semaphore(%arg32 : memref<!tpu.dma_semaphore, #tpu.memory_space<semaphore_mem>>) src(%arg12 : memref<80x128xf32, #tpu.memory_space<vmem>>) dst(%dma_wait3A_407 : memref<80x128xf32, #tpu.memory_space<hbm>>)
      %add3A_408 = arith.constant 5 : i32
      %add3A_409 = arith.addi %add3A_403, %add3A_408 : i32
      %dma_start3A_410 = arith.constant 0 : i32
      %dma_start3A_411 = tpu.memref_slice %arg5[%add3A_409, %dma_start3A_410] : memref<80x80xi32, #tpu.memory_space<vmem>> -> memref<1x80xi32, #tpu.memory_space<vmem>>
      %dma_start3A_412 = tpu.memref_squeeze %dma_start3A_411 : memref<1x80xi32, #tpu.memory_space<vmem>> -> memref<80xi32, #tpu.memory_space<vmem>>
      %dma_start3A_413 = arith.constant 0 : i32
      %dma_start3A_414 = arith.constant 0 : i32
      %dma_start3A_415 = tpu.memref_slice %arg3[%dma_start3A_413, %dma_start3A_414] : memref<100000x128xf32, #tpu.memory_space<hbm>> -> memref<100000x128xf32, #tpu.memory_space<hbm>>
      tpu.enqueue_indirect_dma source(%dma_start3A_415 : memref<100000x128xf32, #tpu.memory_space<hbm>>) target(%arg12 : memref<80x128xf32, #tpu.memory_space<vmem>>) offsets(%dma_start3A_412 : memref<80xi32, #tpu.memory_space<vmem>>) semaphore(%arg22 : memref<!tpu.dma_semaphore, #tpu.memory_space<semaphore_mem>>)
      %dma_wait3A_416 = arith.constant 0 : i32
      %dma_wait3A_417 = arith.constant 0 : i32
      %dma_wait3A_418 = tpu.memref_slice %arg3[%dma_wait3A_416, %dma_wait3A_417] : memref<100000x128xf32, #tpu.memory_space<hbm>> -> memref<80x128xf32, #tpu.memory_space<hbm>>
      %dma_wait3A_419 = arith.constant 0 : i32
      %dma_wait3A_420 = arith.constant 0 : i32
      %dma_wait3A_421 = tpu.memref_slice %arg3[%dma_wait3A_419, %dma_wait3A_420] : memref<100000x128xf32, #tpu.memory_space<hbm>> -> memref<80x128xf32, #tpu.memory_space<hbm>>
      tpu.wait_dma2 semaphore(%arg17 : memref<!tpu.dma_semaphore, #tpu.memory_space<semaphore_mem>>) src(%dma_wait3A_421 : memref<80x128xf32, #tpu.memory_space<hbm>>) dst(%arg7 : memref<80x128xf32, #tpu.memory_space<vmem>>)
      %mul3A_422 = arith.constant 80 : i32
      %mul3A_423 = arith.muli %add3A_403, %mul3A_422 : i32
      %add3A_424 = arith.addi %mul3A_2, %mul3A_423 : i32
      %dma_start3A_425 = arith.constant 0 : i32
      %dma_start3A_426 = tpu.memref_slice %arg4[%add3A_424, %dma_start3A_425] : memref<204800x128xf32, #tpu.memory_space<hbm>> -> memref<80x128xf32, #tpu.memory_space<hbm>>
      %dma_start3A_427 = arith.constant 0 : i32
      %dma_start3A_428 = tpu.memref_slice %arg4[%add3A_424, %dma_start3A_427] : memref<204800x128xf32, #tpu.memory_space<hbm>> -> memref<80x128xf32, #tpu.memory_space<hbm>>
      tpu.enqueue_dma source(%arg7 : memref<80x128xf32, #tpu.memory_space<vmem>>) target(%dma_start3A_428 : memref<80x128xf32, #tpu.memory_space<hbm>>) target_semaphore(%arg27 : memref<!tpu.dma_semaphore, #tpu.memory_space<semaphore_mem>>)
      %add3A_429 = arith.constant 7 : i32
      %add3A_430 = arith.addi %add3A_239, %add3A_429 : i32
      %dma_wait3A_431 = arith.constant 0 : i32
      %dma_wait3A_432 = tpu.memref_slice %arg4[%mul3A_2, %dma_wait3A_431] : memref<204800x128xf32, #tpu.memory_space<hbm>> -> memref<80x128xf32, #tpu.memory_space<hbm>>
      %dma_wait3A_433 = arith.constant 0 : i32
      %dma_wait3A_434 = tpu.memref_slice %arg4[%mul3A_2, %dma_wait3A_433] : memref<204800x128xf32, #tpu.memory_space<hbm>> -> memref<80x128xf32, #tpu.memory_space<hbm>>
      tpu.wait_dma2 semaphore(%arg33 : memref<!tpu.dma_semaphore, #tpu.memory_space<semaphore_mem>>) src(%arg13 : memref<80x128xf32, #tpu.memory_space<vmem>>) dst(%dma_wait3A_434 : memref<80x128xf32, #tpu.memory_space<hbm>>)
      %add3A_435 = arith.constant 5 : i32
      %add3A_436 = arith.addi %add3A_430, %add3A_435 : i32
      %dma_start3A_437 = arith.constant 0 : i32
      %dma_start3A_438 = tpu.memref_slice %arg5[%add3A_436, %dma_start3A_437] : memref<80x80xi32, #tpu.memory_space<vmem>> -> memref<1x80xi32, #tpu.memory_space<vmem>>
      %dma_start3A_439 = tpu.memref_squeeze %dma_start3A_438 : memref<1x80xi32, #tpu.memory_space<vmem>> -> memref<80xi32, #tpu.memory_space<vmem>>
      %dma_start3A_440 = arith.constant 0 : i32
      %dma_start3A_441 = arith.constant 0 : i32
      %dma_start3A_442 = tpu.memref_slice %arg3[%dma_start3A_440, %dma_start3A_441] : memref<100000x128xf32, #tpu.memory_space<hbm>> -> memref<100000x128xf32, #tpu.memory_space<hbm>>
      tpu.enqueue_indirect_dma source(%dma_start3A_442 : memref<100000x128xf32, #tpu.memory_space<hbm>>) target(%arg13 : memref<80x128xf32, #tpu.memory_space<vmem>>) offsets(%dma_start3A_439 : memref<80xi32, #tpu.memory_space<vmem>>) semaphore(%arg23 : memref<!tpu.dma_semaphore, #tpu.memory_space<semaphore_mem>>)
      %dma_wait3A_443 = arith.constant 0 : i32
      %dma_wait3A_444 = arith.constant 0 : i32
      %dma_wait3A_445 = tpu.memref_slice %arg3[%dma_wait3A_443, %dma_wait3A_444] : memref<100000x128xf32, #tpu.memory_space<hbm>> -> memref<80x128xf32, #tpu.memory_space<hbm>>
      %dma_wait3A_446 = arith.constant 0 : i32
      %dma_wait3A_447 = arith.constant 0 : i32
      %dma_wait3A_448 = tpu.memref_slice %arg3[%dma_wait3A_446, %dma_wait3A_447] : memref<100000x128xf32, #tpu.memory_space<hbm>> -> memref<80x128xf32, #tpu.memory_space<hbm>>
      tpu.wait_dma2 semaphore(%arg18 : memref<!tpu.dma_semaphore, #tpu.memory_space<semaphore_mem>>) src(%dma_wait3A_448 : memref<80x128xf32, #tpu.memory_space<hbm>>) dst(%arg8 : memref<80x128xf32, #tpu.memory_space<vmem>>)
      %mul3A_449 = arith.constant 80 : i32
      %mul3A_450 = arith.muli %add3A_430, %mul3A_449 : i32
      %add3A_451 = arith.addi %mul3A_2, %mul3A_450 : i32
      %dma_start3A_452 = arith.constant 0 : i32
      %dma_start3A_453 = tpu.memref_slice %arg4[%add3A_451, %dma_start3A_452] : memref<204800x128xf32, #tpu.memory_space<hbm>> -> memref<80x128xf32, #tpu.memory_space<hbm>>
      %dma_start3A_454 = arith.constant 0 : i32
      %dma_start3A_455 = tpu.memref_slice %arg4[%add3A_451, %dma_start3A_454] : memref<204800x128xf32, #tpu.memory_space<hbm>> -> memref<80x128xf32, #tpu.memory_space<hbm>>
      tpu.enqueue_dma source(%arg8 : memref<80x128xf32, #tpu.memory_space<vmem>>) target(%dma_start3A_455 : memref<80x128xf32, #tpu.memory_space<hbm>>) target_semaphore(%arg28 : memref<!tpu.dma_semaphore, #tpu.memory_space<semaphore_mem>>)
      %add3A_456 = arith.constant 8 : i32
      %add3A_457 = arith.addi %add3A_239, %add3A_456 : i32
      %dma_wait3A_458 = arith.constant 0 : i32
      %dma_wait3A_459 = tpu.memref_slice %arg4[%mul3A_2, %dma_wait3A_458] : memref<204800x128xf32, #tpu.memory_space<hbm>> -> memref<80x128xf32, #tpu.memory_space<hbm>>
      %dma_wait3A_460 = arith.constant 0 : i32
      %dma_wait3A_461 = tpu.memref_slice %arg4[%mul3A_2, %dma_wait3A_460] : memref<204800x128xf32, #tpu.memory_space<hbm>> -> memref<80x128xf32, #tpu.memory_space<hbm>>
      tpu.wait_dma2 semaphore(%arg34 : memref<!tpu.dma_semaphore, #tpu.memory_space<semaphore_mem>>) src(%arg14 : memref<80x128xf32, #tpu.memory_space<vmem>>) dst(%dma_wait3A_461 : memref<80x128xf32, #tpu.memory_space<hbm>>)
      %add3A_462 = arith.constant 5 : i32
      %add3A_463 = arith.addi %add3A_457, %add3A_462 : i32
      %dma_start3A_464 = arith.constant 0 : i32
      %dma_start3A_465 = tpu.memref_slice %arg5[%add3A_463, %dma_start3A_464] : memref<80x80xi32, #tpu.memory_space<vmem>> -> memref<1x80xi32, #tpu.memory_space<vmem>>
      %dma_start3A_466 = tpu.memref_squeeze %dma_start3A_465 : memref<1x80xi32, #tpu.memory_space<vmem>> -> memref<80xi32, #tpu.memory_space<vmem>>
      %dma_start3A_467 = arith.constant 0 : i32
      %dma_start3A_468 = arith.constant 0 : i32
      %dma_start3A_469 = tpu.memref_slice %arg3[%dma_start3A_467, %dma_start3A_468] : memref<100000x128xf32, #tpu.memory_space<hbm>> -> memref<100000x128xf32, #tpu.memory_space<hbm>>
      tpu.enqueue_indirect_dma source(%dma_start3A_469 : memref<100000x128xf32, #tpu.memory_space<hbm>>) target(%arg14 : memref<80x128xf32, #tpu.memory_space<vmem>>) offsets(%dma_start3A_466 : memref<80xi32, #tpu.memory_space<vmem>>) semaphore(%arg24 : memref<!tpu.dma_semaphore, #tpu.memory_space<semaphore_mem>>)
      %dma_wait3A_470 = arith.constant 0 : i32
      %dma_wait3A_471 = arith.constant 0 : i32
      %dma_wait3A_472 = tpu.memref_slice %arg3[%dma_wait3A_470, %dma_wait3A_471] : memref<100000x128xf32, #tpu.memory_space<hbm>> -> memref<80x128xf32, #tpu.memory_space<hbm>>
      %dma_wait3A_473 = arith.constant 0 : i32
      %dma_wait3A_474 = arith.constant 0 : i32
      %dma_wait3A_475 = tpu.memref_slice %arg3[%dma_wait3A_473, %dma_wait3A_474] : memref<100000x128xf32, #tpu.memory_space<hbm>> -> memref<80x128xf32, #tpu.memory_space<hbm>>
      tpu.wait_dma2 semaphore(%arg19 : memref<!tpu.dma_semaphore, #tpu.memory_space<semaphore_mem>>) src(%dma_wait3A_475 : memref<80x128xf32, #tpu.memory_space<hbm>>) dst(%arg9 : memref<80x128xf32, #tpu.memory_space<vmem>>)
      %mul3A_476 = arith.constant 80 : i32
      %mul3A_477 = arith.muli %add3A_457, %mul3A_476 : i32
      %add3A_478 = arith.addi %mul3A_2, %mul3A_477 : i32
      %dma_start3A_479 = arith.constant 0 : i32
      %dma_start3A_480 = tpu.memref_slice %arg4[%add3A_478, %dma_start3A_479] : memref<204800x128xf32, #tpu.memory_space<hbm>> -> memref<80x128xf32, #tpu.memory_space<hbm>>
      %dma_start3A_481 = arith.constant 0 : i32
      %dma_start3A_482 = tpu.memref_slice %arg4[%add3A_478, %dma_start3A_481] : memref<204800x128xf32, #tpu.memory_space<hbm>> -> memref<80x128xf32, #tpu.memory_space<hbm>>
      tpu.enqueue_dma source(%arg9 : memref<80x128xf32, #tpu.memory_space<vmem>>) target(%dma_start3A_482 : memref<80x128xf32, #tpu.memory_space<hbm>>) target_semaphore(%arg29 : memref<!tpu.dma_semaphore, #tpu.memory_space<semaphore_mem>>)
      %add3A_483 = arith.constant 9 : i32
      %add3A_484 = arith.addi %add3A_239, %add3A_483 : i32
      %dma_wait3A_485 = arith.constant 0 : i32
      %dma_wait3A_486 = tpu.memref_slice %arg4[%mul3A_2, %dma_wait3A_485] : memref<204800x128xf32, #tpu.memory_space<hbm>> -> memref<80x128xf32, #tpu.memory_space<hbm>>
      %dma_wait3A_487 = arith.constant 0 : i32
      %dma_wait3A_488 = tpu.memref_slice %arg4[%mul3A_2, %dma_wait3A_487] : memref<204800x128xf32, #tpu.memory_space<hbm>> -> memref<80x128xf32, #tpu.memory_space<hbm>>
      tpu.wait_dma2 semaphore(%arg35 : memref<!tpu.dma_semaphore, #tpu.memory_space<semaphore_mem>>) src(%arg15 : memref<80x128xf32, #tpu.memory_space<vmem>>) dst(%dma_wait3A_488 : memref<80x128xf32, #tpu.memory_space<hbm>>)
      %add3A_489 = arith.constant 5 : i32
      %add3A_490 = arith.addi %add3A_484, %add3A_489 : i32
      %dma_start3A_491 = arith.constant 0 : i32
      %dma_start3A_492 = tpu.memref_slice %arg5[%add3A_490, %dma_start3A_491] : memref<80x80xi32, #tpu.memory_space<vmem>> -> memref<1x80xi32, #tpu.memory_space<vmem>>
      %dma_start3A_493 = tpu.memref_squeeze %dma_start3A_492 : memref<1x80xi32, #tpu.memory_space<vmem>> -> memref<80xi32, #tpu.memory_space<vmem>>
      %dma_start3A_494 = arith.constant 0 : i32
      %dma_start3A_495 = arith.constant 0 : i32
      %dma_start3A_496 = tpu.memref_slice %arg3[%dma_start3A_494, %dma_start3A_495] : memref<100000x128xf32, #tpu.memory_space<hbm>> -> memref<100000x128xf32, #tpu.memory_space<hbm>>
      tpu.enqueue_indirect_dma source(%dma_start3A_496 : memref<100000x128xf32, #tpu.memory_space<hbm>>) target(%arg15 : memref<80x128xf32, #tpu.memory_space<vmem>>) offsets(%dma_start3A_493 : memref<80xi32, #tpu.memory_space<vmem>>) semaphore(%arg25 : memref<!tpu.dma_semaphore, #tpu.memory_space<semaphore_mem>>)
      %dma_wait3A_497 = arith.constant 0 : i32
      %dma_wait3A_498 = arith.constant 0 : i32
      %dma_wait3A_499 = tpu.memref_slice %arg3[%dma_wait3A_497, %dma_wait3A_498] : memref<100000x128xf32, #tpu.memory_space<hbm>> -> memref<80x128xf32, #tpu.memory_space<hbm>>
      %dma_wait3A_500 = arith.constant 0 : i32
      %dma_wait3A_501 = arith.constant 0 : i32
      %dma_wait3A_502 = tpu.memref_slice %arg3[%dma_wait3A_500, %dma_wait3A_501] : memref<100000x128xf32, #tpu.memory_space<hbm>> -> memref<80x128xf32, #tpu.memory_space<hbm>>
      tpu.wait_dma2 semaphore(%arg20 : memref<!tpu.dma_semaphore, #tpu.memory_space<semaphore_mem>>) src(%dma_wait3A_502 : memref<80x128xf32, #tpu.memory_space<hbm>>) dst(%arg10 : memref<80x128xf32, #tpu.memory_space<vmem>>)
      %mul3A_503 = arith.constant 80 : i32
      %mul3A_504 = arith.muli %add3A_484, %mul3A_503 : i32
      %add3A_505 = arith.addi %mul3A_2, %mul3A_504 : i32
      %dma_start3A_506 = arith.constant 0 : i32
      %dma_start3A_507 = tpu.memref_slice %arg4[%add3A_505, %dma_start3A_506] : memref<204800x128xf32, #tpu.memory_space<hbm>> -> memref<80x128xf32, #tpu.memory_space<hbm>>
      %dma_start3A_508 = arith.constant 0 : i32
      %dma_start3A_509 = tpu.memref_slice %arg4[%add3A_505, %dma_start3A_508] : memref<204800x128xf32, #tpu.memory_space<hbm>> -> memref<80x128xf32, #tpu.memory_space<hbm>>
      tpu.enqueue_dma source(%arg10 : memref<80x128xf32, #tpu.memory_space<vmem>>) target(%dma_start3A_509 : memref<80x128xf32, #tpu.memory_space<hbm>>) target_semaphore(%arg30 : memref<!tpu.dma_semaphore, #tpu.memory_space<semaphore_mem>>)
    }
    %scan3A_134 = arith.constant 7 : i32
    %dma_wait3A_135 = arith.constant 0 : i32
    %dma_wait3A_136 = tpu.memref_slice %arg4[%mul3A_2, %dma_wait3A_135] : memref<204800x128xf32, #tpu.memory_space<hbm>> -> memref<80x128xf32, #tpu.memory_space<hbm>>
    %dma_wait3A_137 = arith.constant 0 : i32
    %dma_wait3A_138 = tpu.memref_slice %arg4[%mul3A_2, %dma_wait3A_137] : memref<204800x128xf32, #tpu.memory_space<hbm>> -> memref<80x128xf32, #tpu.memory_space<hbm>>
    tpu.wait_dma2 semaphore(%arg26 : memref<!tpu.dma_semaphore, #tpu.memory_space<semaphore_mem>>) src(%arg6 : memref<80x128xf32, #tpu.memory_space<vmem>>) dst(%dma_wait3A_138 : memref<80x128xf32, #tpu.memory_space<hbm>>)
    %dma_wait3A_139 = arith.constant 0 : i32
    %dma_wait3A_140 = arith.constant 0 : i32
    %dma_wait3A_141 = tpu.memref_slice %arg3[%dma_wait3A_139, %dma_wait3A_140] : memref<100000x128xf32, #tpu.memory_space<hbm>> -> memref<80x128xf32, #tpu.memory_space<hbm>>
    %dma_wait3A_142 = arith.constant 0 : i32
    %dma_wait3A_143 = arith.constant 0 : i32
    %dma_wait3A_144 = tpu.memref_slice %arg3[%dma_wait3A_142, %dma_wait3A_143] : memref<100000x128xf32, #tpu.memory_space<hbm>> -> memref<80x128xf32, #tpu.memory_space<hbm>>
    tpu.wait_dma2 semaphore(%arg21 : memref<!tpu.dma_semaphore, #tpu.memory_space<semaphore_mem>>) src(%dma_wait3A_144 : memref<80x128xf32, #tpu.memory_space<hbm>>) dst(%arg11 : memref<80x128xf32, #tpu.memory_space<vmem>>)
    %add3A_145 = arith.constant 6000 : i32
    %add3A_146 = arith.addi %mul3A_2, %add3A_145 : i32
    %dma_start3A_147 = arith.constant 0 : i32
    %dma_start3A_148 = tpu.memref_slice %arg4[%add3A_146, %dma_start3A_147] : memref<204800x128xf32, #tpu.memory_space<hbm>> -> memref<80x128xf32, #tpu.memory_space<hbm>>
    %dma_start3A_149 = arith.constant 0 : i32
    %dma_start3A_150 = tpu.memref_slice %arg4[%add3A_146, %dma_start3A_149] : memref<204800x128xf32, #tpu.memory_space<hbm>> -> memref<80x128xf32, #tpu.memory_space<hbm>>
    tpu.enqueue_dma source(%arg11 : memref<80x128xf32, #tpu.memory_space<vmem>>) target(%dma_start3A_150 : memref<80x128xf32, #tpu.memory_space<hbm>>) target_semaphore(%arg31 : memref<!tpu.dma_semaphore, #tpu.memory_space<semaphore_mem>>)
    %dma_wait3A_151 = arith.constant 0 : i32
    %dma_wait3A_152 = tpu.memref_slice %arg4[%mul3A_2, %dma_wait3A_151] : memref<204800x128xf32, #tpu.memory_space<hbm>> -> memref<80x128xf32, #tpu.memory_space<hbm>>
    %dma_wait3A_153 = arith.constant 0 : i32
    %dma_wait3A_154 = tpu.memref_slice %arg4[%mul3A_2, %dma_wait3A_153] : memref<204800x128xf32, #tpu.memory_space<hbm>> -> memref<80x128xf32, #tpu.memory_space<hbm>>
    tpu.wait_dma2 semaphore(%arg27 : memref<!tpu.dma_semaphore, #tpu.memory_space<semaphore_mem>>) src(%arg7 : memref<80x128xf32, #tpu.memory_space<vmem>>) dst(%dma_wait3A_154 : memref<80x128xf32, #tpu.memory_space<hbm>>)
    %dma_wait3A_155 = arith.constant 0 : i32
    %dma_wait3A_156 = arith.constant 0 : i32
    %dma_wait3A_157 = tpu.memref_slice %arg3[%dma_wait3A_155, %dma_wait3A_156] : memref<100000x128xf32, #tpu.memory_space<hbm>> -> memref<80x128xf32, #tpu.memory_space<hbm>>
    %dma_wait3A_158 = arith.constant 0 : i32
    %dma_wait3A_159 = arith.constant 0 : i32
    %dma_wait3A_160 = tpu.memref_slice %arg3[%dma_wait3A_158, %dma_wait3A_159] : memref<100000x128xf32, #tpu.memory_space<hbm>> -> memref<80x128xf32, #tpu.memory_space<hbm>>
    tpu.wait_dma2 semaphore(%arg22 : memref<!tpu.dma_semaphore, #tpu.memory_space<semaphore_mem>>) src(%dma_wait3A_160 : memref<80x128xf32, #tpu.memory_space<hbm>>) dst(%arg12 : memref<80x128xf32, #tpu.memory_space<vmem>>)
    %add3A_161 = arith.constant 6080 : i32
    %add3A_162 = arith.addi %mul3A_2, %add3A_161 : i32
    %dma_start3A_163 = arith.constant 0 : i32
    %dma_start3A_164 = tpu.memref_slice %arg4[%add3A_162, %dma_start3A_163] : memref<204800x128xf32, #tpu.memory_space<hbm>> -> memref<80x128xf32, #tpu.memory_space<hbm>>
    %dma_start3A_165 = arith.constant 0 : i32
    %dma_start3A_166 = tpu.memref_slice %arg4[%add3A_162, %dma_start3A_165] : memref<204800x128xf32, #tpu.memory_space<hbm>> -> memref<80x128xf32, #tpu.memory_space<hbm>>
    tpu.enqueue_dma source(%arg12 : memref<80x128xf32, #tpu.memory_space<vmem>>) target(%dma_start3A_166 : memref<80x128xf32, #tpu.memory_space<hbm>>) target_semaphore(%arg32 : memref<!tpu.dma_semaphore, #tpu.memory_space<semaphore_mem>>)
    %dma_wait3A_167 = arith.constant 0 : i32
    %dma_wait3A_168 = tpu.memref_slice %arg4[%mul3A_2, %dma_wait3A_167] : memref<204800x128xf32, #tpu.memory_space<hbm>> -> memref<80x128xf32, #tpu.memory_space<hbm>>
    %dma_wait3A_169 = arith.constant 0 : i32
    %dma_wait3A_170 = tpu.memref_slice %arg4[%mul3A_2, %dma_wait3A_169] : memref<204800x128xf32, #tpu.memory_space<hbm>> -> memref<80x128xf32, #tpu.memory_space<hbm>>
    tpu.wait_dma2 semaphore(%arg28 : memref<!tpu.dma_semaphore, #tpu.memory_space<semaphore_mem>>) src(%arg8 : memref<80x128xf32, #tpu.memory_space<vmem>>) dst(%dma_wait3A_170 : memref<80x128xf32, #tpu.memory_space<hbm>>)
    %dma_wait3A_171 = arith.constant 0 : i32
    %dma_wait3A_172 = arith.constant 0 : i32
    %dma_wait3A_173 = tpu.memref_slice %arg3[%dma_wait3A_171, %dma_wait3A_172] : memref<100000x128xf32, #tpu.memory_space<hbm>> -> memref<80x128xf32, #tpu.memory_space<hbm>>
    %dma_wait3A_174 = arith.constant 0 : i32
    %dma_wait3A_175 = arith.constant 0 : i32
    %dma_wait3A_176 = tpu.memref_slice %arg3[%dma_wait3A_174, %dma_wait3A_175] : memref<100000x128xf32, #tpu.memory_space<hbm>> -> memref<80x128xf32, #tpu.memory_space<hbm>>
    tpu.wait_dma2 semaphore(%arg23 : memref<!tpu.dma_semaphore, #tpu.memory_space<semaphore_mem>>) src(%dma_wait3A_176 : memref<80x128xf32, #tpu.memory_space<hbm>>) dst(%arg13 : memref<80x128xf32, #tpu.memory_space<vmem>>)
    %add3A_177 = arith.constant 6160 : i32
    %add3A_178 = arith.addi %mul3A_2, %add3A_177 : i32
    %dma_start3A_179 = arith.constant 0 : i32
    %dma_start3A_180 = tpu.memref_slice %arg4[%add3A_178, %dma_start3A_179] : memref<204800x128xf32, #tpu.memory_space<hbm>> -> memref<80x128xf32, #tpu.memory_space<hbm>>
    %dma_start3A_181 = arith.constant 0 : i32
    %dma_start3A_182 = tpu.memref_slice %arg4[%add3A_178, %dma_start3A_181] : memref<204800x128xf32, #tpu.memory_space<hbm>> -> memref<80x128xf32, #tpu.memory_space<hbm>>
    tpu.enqueue_dma source(%arg13 : memref<80x128xf32, #tpu.memory_space<vmem>>) target(%dma_start3A_182 : memref<80x128xf32, #tpu.memory_space<hbm>>) target_semaphore(%arg33 : memref<!tpu.dma_semaphore, #tpu.memory_space<semaphore_mem>>)
    %dma_wait3A_183 = arith.constant 0 : i32
    %dma_wait3A_184 = tpu.memref_slice %arg4[%mul3A_2, %dma_wait3A_183] : memref<204800x128xf32, #tpu.memory_space<hbm>> -> memref<80x128xf32, #tpu.memory_space<hbm>>
    %dma_wait3A_185 = arith.constant 0 : i32
    %dma_wait3A_186 = tpu.memref_slice %arg4[%mul3A_2, %dma_wait3A_185] : memref<204800x128xf32, #tpu.memory_space<hbm>> -> memref<80x128xf32, #tpu.memory_space<hbm>>
    tpu.wait_dma2 semaphore(%arg29 : memref<!tpu.dma_semaphore, #tpu.memory_space<semaphore_mem>>) src(%arg9 : memref<80x128xf32, #tpu.memory_space<vmem>>) dst(%dma_wait3A_186 : memref<80x128xf32, #tpu.memory_space<hbm>>)
    %dma_wait3A_187 = arith.constant 0 : i32
    %dma_wait3A_188 = arith.constant 0 : i32
    %dma_wait3A_189 = tpu.memref_slice %arg3[%dma_wait3A_187, %dma_wait3A_188] : memref<100000x128xf32, #tpu.memory_space<hbm>> -> memref<80x128xf32, #tpu.memory_space<hbm>>
    %dma_wait3A_190 = arith.constant 0 : i32
    %dma_wait3A_191 = arith.constant 0 : i32
    %dma_wait3A_192 = tpu.memref_slice %arg3[%dma_wait3A_190, %dma_wait3A_191] : memref<100000x128xf32, #tpu.memory_space<hbm>> -> memref<80x128xf32, #tpu.memory_space<hbm>>
    tpu.wait_dma2 semaphore(%arg24 : memref<!tpu.dma_semaphore, #tpu.memory_space<semaphore_mem>>) src(%dma_wait3A_192 : memref<80x128xf32, #tpu.memory_space<hbm>>) dst(%arg14 : memref<80x128xf32, #tpu.memory_space<vmem>>)
    %add3A_193 = arith.constant 6240 : i32
    %add3A_194 = arith.addi %mul3A_2, %add3A_193 : i32
    %dma_start3A_195 = arith.constant 0 : i32
    %dma_start3A_196 = tpu.memref_slice %arg4[%add3A_194, %dma_start3A_195] : memref<204800x128xf32, #tpu.memory_space<hbm>> -> memref<80x128xf32, #tpu.memory_space<hbm>>
    %dma_start3A_197 = arith.constant 0 : i32
    %dma_start3A_198 = tpu.memref_slice %arg4[%add3A_194, %dma_start3A_197] : memref<204800x128xf32, #tpu.memory_space<hbm>> -> memref<80x128xf32, #tpu.memory_space<hbm>>
    tpu.enqueue_dma source(%arg14 : memref<80x128xf32, #tpu.memory_space<vmem>>) target(%dma_start3A_198 : memref<80x128xf32, #tpu.memory_space<hbm>>) target_semaphore(%arg34 : memref<!tpu.dma_semaphore, #tpu.memory_space<semaphore_mem>>)
    %dma_wait3A_199 = arith.constant 0 : i32
    %dma_wait3A_200 = tpu.memref_slice %arg4[%mul3A_2, %dma_wait3A_199] : memref<204800x128xf32, #tpu.memory_space<hbm>> -> memref<80x128xf32, #tpu.memory_space<hbm>>
    %dma_wait3A_201 = arith.constant 0 : i32
    %dma_wait3A_202 = tpu.memref_slice %arg4[%mul3A_2, %dma_wait3A_201] : memref<204800x128xf32, #tpu.memory_space<hbm>> -> memref<80x128xf32, #tpu.memory_space<hbm>>
    tpu.wait_dma2 semaphore(%arg30 : memref<!tpu.dma_semaphore, #tpu.memory_space<semaphore_mem>>) src(%arg10 : memref<80x128xf32, #tpu.memory_space<vmem>>) dst(%dma_wait3A_202 : memref<80x128xf32, #tpu.memory_space<hbm>>)
    %dma_wait3A_203 = arith.constant 0 : i32
    %dma_wait3A_204 = arith.constant 0 : i32
    %dma_wait3A_205 = tpu.memref_slice %arg3[%dma_wait3A_203, %dma_wait3A_204] : memref<100000x128xf32, #tpu.memory_space<hbm>> -> memref<80x128xf32, #tpu.memory_space<hbm>>
    %dma_wait3A_206 = arith.constant 0 : i32
    %dma_wait3A_207 = arith.constant 0 : i32
    %dma_wait3A_208 = tpu.memref_slice %arg3[%dma_wait3A_206, %dma_wait3A_207] : memref<100000x128xf32, #tpu.memory_space<hbm>> -> memref<80x128xf32, #tpu.memory_space<hbm>>
    tpu.wait_dma2 semaphore(%arg25 : memref<!tpu.dma_semaphore, #tpu.memory_space<semaphore_mem>>) src(%dma_wait3A_208 : memref<80x128xf32, #tpu.memory_space<hbm>>) dst(%arg15 : memref<80x128xf32, #tpu.memory_space<vmem>>)
    %add3A_209 = arith.constant 6320 : i32
    %add3A_210 = arith.addi %mul3A_2, %add3A_209 : i32
    %dma_start3A_211 = arith.constant 0 : i32
    %dma_start3A_212 = tpu.memref_slice %arg4[%add3A_210, %dma_start3A_211] : memref<204800x128xf32, #tpu.memory_space<hbm>> -> memref<80x128xf32, #tpu.memory_space<hbm>>
    %dma_start3A_213 = arith.constant 0 : i32
    %dma_start3A_214 = tpu.memref_slice %arg4[%add3A_210, %dma_start3A_213] : memref<204800x128xf32, #tpu.memory_space<hbm>> -> memref<80x128xf32, #tpu.memory_space<hbm>>
    tpu.enqueue_dma source(%arg15 : memref<80x128xf32, #tpu.memory_space<vmem>>) target(%dma_start3A_214 : memref<80x128xf32, #tpu.memory_space<hbm>>) target_semaphore(%arg35 : memref<!tpu.dma_semaphore, #tpu.memory_space<semaphore_mem>>)
    %dma_wait3A_215 = arith.constant 0 : i32
    %dma_wait3A_216 = tpu.memref_slice %arg4[%mul3A_2, %dma_wait3A_215] : memref<204800x128xf32, #tpu.memory_space<hbm>> -> memref<80x128xf32, #tpu.memory_space<hbm>>
    %dma_wait3A_217 = arith.constant 0 : i32
    %dma_wait3A_218 = tpu.memref_slice %arg4[%mul3A_2, %dma_wait3A_217] : memref<204800x128xf32, #tpu.memory_space<hbm>> -> memref<80x128xf32, #tpu.memory_space<hbm>>
    tpu.wait_dma2 semaphore(%arg31 : memref<!tpu.dma_semaphore, #tpu.memory_space<semaphore_mem>>) src(%arg11 : memref<80x128xf32, #tpu.memory_space<vmem>>) dst(%dma_wait3A_218 : memref<80x128xf32, #tpu.memory_space<hbm>>)
    %dma_wait3A_219 = arith.constant 0 : i32
    %dma_wait3A_220 = tpu.memref_slice %arg4[%mul3A_2, %dma_wait3A_219] : memref<204800x128xf32, #tpu.memory_space<hbm>> -> memref<80x128xf32, #tpu.memory_space<hbm>>
    %dma_wait3A_221 = arith.constant 0 : i32
    %dma_wait3A_222 = tpu.memref_slice %arg4[%mul3A_2, %dma_wait3A_221] : memref<204800x128xf32, #tpu.memory_space<hbm>> -> memref<80x128xf32, #tpu.memory_space<hbm>>
    tpu.wait_dma2 semaphore(%arg32 : memref<!tpu.dma_semaphore, #tpu.memory_space<semaphore_mem>>) src(%arg12 : memref<80x128xf32, #tpu.memory_space<vmem>>) dst(%dma_wait3A_222 : memref<80x128xf32, #tpu.memory_space<hbm>>)
    %dma_wait3A_223 = arith.constant 0 : i32
    %dma_wait3A_224 = tpu.memref_slice %arg4[%mul3A_2, %dma_wait3A_223] : memref<204800x128xf32, #tpu.memory_space<hbm>> -> memref<80x128xf32, #tpu.memory_space<hbm>>
    %dma_wait3A_225 = arith.constant 0 : i32
    %dma_wait3A_226 = tpu.memref_slice %arg4[%mul3A_2, %dma_wait3A_225] : memref<204800x128xf32, #tpu.memory_space<hbm>> -> memref<80x128xf32, #tpu.memory_space<hbm>>
    tpu.wait_dma2 semaphore(%arg33 : memref<!tpu.dma_semaphore, #tpu.memory_space<semaphore_mem>>) src(%arg13 : memref<80x128xf32, #tpu.memory_space<vmem>>) dst(%dma_wait3A_226 : memref<80x128xf32, #tpu.memory_space<hbm>>)
    %dma_wait3A_227 = arith.constant 0 : i32
    %dma_wait3A_228 = tpu.memref_slice %arg4[%mul3A_2, %dma_wait3A_227] : memref<204800x128xf32, #tpu.memory_space<hbm>> -> memref<80x128xf32, #tpu.memory_space<hbm>>
    %dma_wait3A_229 = arith.constant 0 : i32
    %dma_wait3A_230 = tpu.memref_slice %arg4[%mul3A_2, %dma_wait3A_229] : memref<204800x128xf32, #tpu.memory_space<hbm>> -> memref<80x128xf32, #tpu.memory_space<hbm>>
    tpu.wait_dma2 semaphore(%arg34 : memref<!tpu.dma_semaphore, #tpu.memory_space<semaphore_mem>>) src(%arg14 : memref<80x128xf32, #tpu.memory_space<vmem>>) dst(%dma_wait3A_230 : memref<80x128xf32, #tpu.memory_space<hbm>>)
    %dma_wait3A_231 = arith.constant 0 : i32
    %dma_wait3A_232 = tpu.memref_slice %arg4[%mul3A_2, %dma_wait3A_231] : memref<204800x128xf32, #tpu.memory_space<hbm>> -> memref<80x128xf32, #tpu.memory_space<hbm>>
    %dma_wait3A_233 = arith.constant 0 : i32
    %dma_wait3A_234 = tpu.memref_slice %arg4[%mul3A_2, %dma_wait3A_233] : memref<204800x128xf32, #tpu.memory_space<hbm>> -> memref<80x128xf32, #tpu.memory_space<hbm>>
    tpu.wait_dma2 semaphore(%arg35 : memref<!tpu.dma_semaphore, #tpu.memory_space<semaphore_mem>>) src(%arg15 : memref<80x128xf32, #tpu.memory_space<vmem>>) dst(%dma_wait3A_234 : memref<80x128xf32, #tpu.memory_space<hbm>>)
    return
  }
}

</mosaic_0001>

<sc_bundles>
// kernel: _gather_rows.3.cloned.1.call-start
scs
__scs_entry_jumppad:
0x0: {  	(pc) =	sbr.rel $0x88, $3  }
0x1: {  	(tag) =	ssettag $0x0;
	lr =	simm.s32 $0x1  }
0x2: {  	[smem:$0x3F9F] =	sst lr;
	_ =	strace $0xD0000000  }
0x3: {  	_ = 	snop  }
0x4: {  	_ = 	snop  }
0x5: {  	_ = 	snop  }
0x6: {  	_ = 	snop  }
0x7: {  	_ = 	snop  }
__scs_overlays_trampoline_lowered:
0x8: {  	[smem:$0x3FAE] =	sst s0  }
0x9: {  	[smem:$0x3FAF] =	sst s1  }
0xa: {  	[smem:$0x3FB0] =	sst s2  }
0xb: {  	[smem:$0x3FB1] =	sst s3  }
0xc: {  	[smem:$0x3FB2] =	sst s4  }
0xd: {  	[smem:$0x3FB3] =	sst s5  }
0xe: {  	[smem:$0x3FB4] =	sst s6  }
0xf: {  	[smem:$0x3FB5] =	sst s7  }
0x10: {  	[smem:$0x3FB6] =	sst s8  }
0x11: {  	[smem:$0x3FB7] =	sst s9;
	s0 =	simm.s32 @!p0 $0x0  }
0x12: {  	s1 =	sld [smem:$0x3F9D];
	s0 =	simm.s32 @p0 $0x1  }
0x13: {  	[smem:$0x3FB8] =	sst s0;
	s0 =	simm.s32 @!p1 $0x0  }
0x14: {  	s2 =	sld [smem:$0x3F9C];
	s0 =	simm.s32 @p1 $0x1  }
0x15: {  	[smem:$0x3FB9] =	sst s0;
	s0 =	simm.s32 @!p2 $0x0  }
0x16: {  	s3 =	sld [smem:$0x3FDB];
	s0 =	simm.s32 @p2 $0x1  }
0x17: {  	s4 =	simm.s32 $0x1BF5;
	[smem:$0x3FBB] =	sst s0  }
0x18: {  	s0 =	sld [smem:$0x3F9E];
	_ =	swait.ge [sflag:s4], $0x0  }
0x19: {  	s7 =	sld [smem:$0x3F9F]  }
0x1a: {  	s8 =	sadd.s32 $0xFFFFE003, lr  }
0x1b: {  	s9 =	sadd.s32 $0xFFFFFEF7, lr;
	s5 =	simm.s32 $0xFFFFFFFF;
	p2 =	slt.u32 s8, $0xFFFFF086  }
0x1c: {  	p1 =	slt.u32 s9, $0xF7A;
	s5 =	simm.s32 @!p2 $0x0  }
0x1d: {  	s5 =	simm.s32 @p1 $0x1;
	p0 =	seq.s32 s7, s2  }
0x1e: {  	s7 =	smul.u32 @!p0 $0xF7A, s2;
	p2 =	seq.s32 @!p0 s5, $0x0  }
0x1f: {  	s9 =	smul.u32 $0xF7A, s1;
	s8 =	simm.s32 @!p0 $0x1BF5;
	p2 =	por !p2, p0  }
0x20: {  	[sflag:s8] =	ssyncset.s32 @!p0 $0xFFFFF086;
	s6 =	sadd.s32 @!p0 s3, s7;
	s7 =	simm.s32 @!p0 $0x108  }
0x21: {  	s3 =	sadd.s32 s3, s9;
	s6 =	sadd.s32 @!p0 $0x88, s6;
	s7 =	simm.s32 @p2 $0x1082  }
0x22: {  	[simem:s7], [sflag:s8] =	dma.local @!p0 [hbm:s6], $0xF7A  }
0x23: {  	s9 =	sor.u32 $0xD0000000, s2;
	s6 =	simm.s32 $0x108;
	_ =	swait.ge @!p0 [sflag:s8], $0x0  }
0x24: {  	s3 =	sadd.s32 $0x88, s3;
	s6 =	simm.s32 @!p1 $0x1082;
	[sflag:s4] =	ssyncset.s32 $0xFFFFF086  }
0x25: {  	[simem:s6], [sflag:s4] =	dma.local [hbm:s3], $0xF7A  }
0x26: {  	[smem:$0x3F9F] =	sst s1;
	(tag) =	ssettag s2;
	_ =	strace s9  }
0x27: {  	s1 =	sld [smem:$0x3FAF]  }
0x28: {  	s2 =	sld [smem:$0x3FB0]  }
0x29: {  	s4 =	sld [smem:$0x3FB2]  }
0x2a: {  	p0 =	seq.s32 s5, $0x0;
	s5 =	sld [smem:$0x3FB3]  }
0x2b: {  	s6 =	sld [smem:$0x3FB4]  }
0x2c: {  	s7 =	sld [smem:$0x3FB5]  }
0x2d: {  	s3 =	simm.s32 $0x108;
	s8 =	sld [smem:$0x3FB6]  }
0x2e: {  	s3 =	simm.s32 @!p0 $0x1082;
	s9 =	sld [smem:$0x3FB7]  }
0x2f: {  	lr =	sadd.s32 s0, s3;
	s0 =	sld [smem:$0x3FAE]  }
0x30: {  	s3 =	sld [smem:$0x3FB1]  }
0x31: {  	[smem:$0x3FBA] =	sst s10  }
0x32: {  	s10 =	sld [smem:$0x3FB8];
	_ =	sdelay $0x3  }
0x33: {  	p0 =	seq.s32 s10, $0x1;
	s10 =	sld [smem:$0x3FBA];
	_ =	sdelay $0x3  }
0x34: {  	[smem:$0x3FBA] =	sst s10  }
0x35: {  	s10 =	sld [smem:$0x3FB9];
	_ =	sdelay $0x3  }
0x36: {  	p1 =	seq.s32 s10, $0x1;
	s10 =	sld [smem:$0x3FBA];
	_ =	sdelay $0x3  }
0x37: {  	[smem:$0x3FBA] =	sst s10  }
0x38: {  	s10 =	sld [smem:$0x3FBB]  }
0x39: {  	_ = 	snop;
	(pc) =	sbr.ind lr, $3  }
0x3a: {  	_ = 	snop  }
0x3b: {  	_ = 	snop  }
0x3c: {  	p2 =	seq.s32 s10, $0x1;
	s10 =	sld [smem:$0x3FBA]  }
0x3d: {  	_ =	shalt  }
0x3e: {  	_ =	shalt  }
0x3f: {  	_ =	shalt  }
0x40: {  	_ =	shalt  }
0x41: {  	_ =	shalt  }
0x42: {  	_ =	shalt  }
0x43: {  	_ =	shalt  }
0x44: {  	_ =	shalt  }
0x45: {  	_ =	shalt  }
0x46: {  	_ =	shalt  }
0x47: {  	_ =	shalt  }
0x48: {  	_ =	shalt  }
0x49: {  	_ =	shalt  }
0x4a: {  	_ =	shalt  }
0x4b: {  	_ =	shalt  }
0x4c: {  	_ =	shalt  }
0x4d: {  	_ =	shalt  }
0x4e: {  	_ =	shalt  }
0x4f: {  	_ =	shalt  }
0x50: {  	_ =	shalt  }
0x51: {  	_ =	shalt  }
0x52: {  	_ =	shalt  }
0x53: {  	_ =	shalt  }
0x54: {  	_ =	shalt  }
0x55: {  	_ =	shalt  }
0x56: {  	_ =	shalt  }
0x57: {  	_ =	shalt  }
0x58: {  	_ =	shalt  }
0x59: {  	_ =	shalt  }
0x5a: {  	_ =	shalt  }
0x5b: {  	_ =	shalt  }
0x5c: {  	_ =	shalt  }
0x5d: {  	_ =	shalt  }
0x5e: {  	_ =	shalt  }
0x5f: {  	_ =	shalt  }
0x60: {  	_ =	shalt  }
0x61: {  	_ =	shalt  }
0x62: {  	_ =	shalt  }
0x63: {  	_ =	shalt  }
0x64: {  	_ =	shalt  }
0x65: {  	_ =	shalt  }
0x66: {  	_ =	shalt  }
0x67: {  	_ =	shalt  }
0x68: {  	_ =	shalt  }
0x69: {  	_ =	shalt  }
0x6a: {  	_ =	shalt  }
0x6b: {  	_ =	shalt  }
0x6c: {  	_ =	shalt  }
0x6d: {  	_ =	shalt  }
0x6e: {  	_ =	shalt  }
0x6f: {  	_ =	shalt  }
0x70: {  	_ =	shalt  }
0x71: {  	_ =	shalt  }
0x72: {  	_ =	shalt  }
0x73: {  	_ =	shalt  }
0x74: {  	_ =	shalt  }
0x75: {  	_ =	shalt  }
0x76: {  	_ =	shalt  }
0x77: {  	_ =	shalt  }
0x78: {  	_ =	shalt  }
0x79: {  	_ =	shalt  }
0x7a: {  	_ =	shalt  }
0x7b: {  	_ =	shalt  }
0x7c: {  	_ =	shalt  }
0x7d: {  	_ =	shalt  }
0x7e: {  	_ =	shalt  }
0x7f: {  	_ =	shalt  }
0x80: {  	_ =	shalt  }
0x81: {  	_ =	shalt  }
0x82: {  	_ =	shalt  }
0x83: {  	_ =	shalt  }
0x84: {  	_ =	shalt  }
0x85: {  	_ =	shalt  }
0x86: {  	_ =	shalt  }
0x87: {  	_ =	shalt  }
.Lfunc_end0:
.L_simem_size_0:
called_computation_lowered:
.L_overlay_start_0:
0x88: {  	s2 =	sld [smem:$0x3FD9]  }
0x89: {  	s3 =	sld [smem:$0x3FFE];
	_ =	sdelay $0x1  }
0x8a: {  	s1 =	srdreg.scid  }
0x8b: {  	s0 =	sand.u32 $0x1, s1  }
0x8c: {  	s18 =	sshll.u32 s0, $0xA;
	s2 =	sadd.s32 s3, s2  }
0x8d: {  	s2 =	sadd.s32 s2, s18  }
0x8e: {  	[smem:$0x3FC6] =	sst s2  }
0x8f: {  	_ = 	snop  }
0x90: {  	s2 =	sld [smem:$0x3FC9]  }
0x91: {  	s19 =	sld [smem:$0x3FC8]  }
0x92: {  	s4 =	sld [smem:$0x3FD0];
	(tm) =	ssettm $0x1  }
0x93: {  	s5 =	sld [smem:$0x3FFB];
	_ =	sdelay $0x3  }
0x94: {  	_ =	strace s5  }
0x95: {  	s5 =	sld [smem:$0x3FFC];
	_ =	sdelay $0x3  }
0x96: {  	_ =	strace s5  }
0x97: {  	s5 =	sld [smem:$0x3FFD];
	_ =	sdelay $0x3  }
0x98: {  	_ =	strace s5  }
0x99: {  	_ =	strace $0x8FFFFFFF  }
0x9a: {  	s20 =	sld [smem:$0x3FDB];
	_ =	sdelay $0x1  }
0x9b: {  	s6 =	simm.s32 $_scs_section_size  }
0x9c: {  	s7 =	simm.s32 $_size__tile_overlayer_lowered;
	s8 =	simm.s32 $_tile_overlayer_lowered  }
0x9d: {  	s23 =	simm.s32 $0x1BFF;
	s22 =	sshll.u32 s8, $0x1;
	s5 =	sadd.s32 s6, s20  }
0x9e: {  	s9 =	simm.s32 $0x0;
	s21 =	sshll.u32 s7, $0x1;
	s7 =	sadd.s32 s22, s5  }
0x9f: {  	[timem:s9], [sflag:s23] =	dma.local [hbm:s7], s21  }
0xa0: {  	_ =	swait.ge [sflag:s23], s21  }
0xa1: {  	s6 =	ssub.s32 $0x0, s21;
	[sflag:s23] =	ssyncset.done $0x0  }
0xa2: {  	[sflag:s23] =	ssyncadd.s32 s6;
	_ =	sdelay $0x1  }
0xa3: {  	s24 =	simm.s32 $0x1B8B  }
0xa4: {  	_ =	swait.ge [sflag:s24], $0x1  }
0xa5: {  	[sflag:s24] =	ssyncset.done $0x0  }
0xa6: {  	s25 =	simm.s32 $0x1B8E;
	[sflag:s24] =	ssyncadd.s32 $0xFFFFFFFF  }
0xa7: {  	s26 =	simm.s32 $execute0_lowered;
	[smem:$0x3FD2] =	sst s25  }
0xa8: {  	s6 =	sshll.u32 s26, $0x1;
	_ =	strace $0x80000046;
	[dreg:$0x1] =	wrdreg $0xFFFFFFFF  }
0xa9: {  	s28 =	simm.s32 $_size_execute0_lowered;
	s5 =	sadd.s32 s5, s6;
	[dreg:$0x0] =	wrdreg $0x0  }
0xaa: {  	s6 =	sshll.u32 s28, $0x1;
	[dreg:$0x2] =	wrdreg s5  }
0xab: {  	[dreg:$0x3] =	wrdreg s6  }
0xac: {  	[dreg:$0x4] =	wrdreg $0xC0  }
0xad: {  	_ =	task [dreg:s9], $0x5FFFF  }
0xae: {  	[dreg:$0x1] =	wrdreg $0xFFFFFFFF  }
0xaf: {  	[dreg:$0x0] =	wrdreg $0x60  }
0xb0: {  	[dreg:$0x2] =	wrdreg s2  }
0xb1: {  	[dreg:$0x3] =	wrdreg s19  }
0xb2: {  	[dreg:$0x4] =	wrdreg s4  }
0xb3: {  	[dreg:$0x5] =	wrdreg $0x9  }
0xb4: {  	_ =	task.clear_ibuf [dreg:s9], $0x6FFFF;
	_ =	strace $0x90000046  }
0xb5: {  	s29 =	simm.s32 $0x9;
	_ =	strace $0x80000048  }
0xb6: {  	_ =	swait.ge [sflag:s29], $0x1  }
0xb7: {  	[sflag:s29] =	ssyncadd.s32 $0xFFFFFFFF  }
0xb8: {  	_ =	strace $0x90000048  }
0xb9: {  	_ =	sfence  }
0xba: {  	s30 =	sld [smem:$0x0];
	_ =	sdelay $0x2  }
0xbb: {  	s31 =	sshll.u32 s1, $0xD;
	s1 =	sshrl.u32 s1, $0x2  }
0xbc: {  	s3 =	sand.u32 $0x4000, s31;
	s1 =	sadd.s32 s1, s30  }
0xbd: {  	s0 =	sor.u32 s3, s0;
	s1 =	sshll.u32 s1, $0x11  }
0xbe: {  	s0 =	sor.u32 s1, s0  }
0xbf: {  	s0 =	sadd.s32 $0x8F2B, s0  }
0xc0: {  	[sflag:s0] =	ssyncadd.remote.s32 $0x1  }
0xc1: {  	_ =	sfence.sel $0xFFFF  }
0xc2: {  	[dreg:$0x0] =	wrdreg $0xFFFFFFFF;
	(pc) =	sbr.abs _section_cstart, $3  }
0xc3: {  	[dreg:$0x1] =	wrdreg $0xFFFFFFFF  }
0xc4: {  	_ =	task.clear_ibuf [dreg:s9], $0x2FFFF;
	_ =	strace $0x9FFFFFFF  }
0xc5: {  	(tm) =	ssettm $0x7FFFFFFF  }
tec
execute0_lowered:
.L_overlay_start_1:
0x0: {  	(tag) =	ssettag $0x1  }
0x1: {  	s0 =	rddreg [dreg:$0x0];
	s1 =	srdreg.scid  }
0x2: {  	s10 =	stileid.u32;
	s2 =	rddreg [dreg:$0x1]  }
0x3: {  	s4 =	rddreg [dreg:$0x2];
	s28 =	simm.s32 $0xA000;
	s11 =	simm.s32 $0x8  }
0x4: {  	s12 =	simm.s32 $0xE;
	s13 =	simm.s32 $0x9;
	s14 =	simm.s32 $0xF  }
0x5: {  	s15 =	simm.s32 $0xA;
	s1 =	sand.u32 $0x1, s1;
	s3 =	sshll.u32 s10, $0x1  }
0x6: {  	s17 =	simm.s32 $0x11;
	s21 =	smul.u32 $0x32000, s10;
	s5 =	sor.u32 s1, s3  }
0x7: {  	s16 =	simm.s32 $0x12;
	s10 =	simm.s32 $0x5;
	s6 =	smul.u32 $0x500, s5  }
0x8: {  	s3 =	simm.s32 $0x0;
	s7 =	ssub.s32 $0x2, s1;
	s8 =	smul.u32 $0x19000, s5  }
0x9: {  	[smem:$0x7FF] =	sst s3;
	s9 =	sshrl.u32 s7, $0x1;
	s5 =	smul.u32 $0xC8000, s5  }
0xa: {  	s1 =	smul.u32 $0x19000, s1;
	_ =	strace $0x80000047;
	s7 =	ssub.s32 s7, s9  }
0xb: {  	s8 =	sadd.s32 s4, s8;
	s0 =	sadd.s32 s0, s6;
	s19 =	sshrl.u32 s5, $0x3  }
0xc: {  	s30 =	smax.u32 s7, $0x1;
	s5 =	simm.s32 $0x2;
	[dreg:$0x5] =	wrdreg s0  }
0xd: {  	s6 =	simm.s32 $0x3;
	s7 =	simm.s32 $0x0;
	[dreg:$0x4] =	wrdreg s8  }
0xe: {  	s18 =	sadd.s32 $0x500, s8;
	s20 =	sadd.s32 $0xA00, s8;
	[dreg:$0xf] =	wrdreg s30  }
0xf: {  	s0 =	sadd.s32 s4, s19;
	s22 =	sadd.s32 $0xF00, s8;
	[dreg:$0x6] =	wrdreg s18  }
0x10: {  	s4 =	sadd.s32 s21, s4;
	s8 =	simm.s32 $0x4;
	[dreg:$0x7] =	wrdreg s20  }
0x11: {  	s19 =	simm.s32 $0x13;
	[dreg:$0x8] =	wrdreg s22;
	s23 =	sadd.s32 $0x1400, s0  }
0x12: {  	s21 =	simm.s32 $0x14;
	s24 =	sadd.s32 $0x17700, s0;
	[dreg:$0x9] =	wrdreg s23  }
0x13: {  	s25 =	sadd.s32 $0x17C00, s0;
	s26 =	sadd.s32 $0x18100, s0;
	[dreg:$0xa] =	wrdreg s24  }
0x14: {  	s29 =	sadd.s32 $0x18600, s0;
	s1 =	sadd.s32 s1, s4;
	[dreg:$0xb] =	wrdreg s25  }
0x15: {  	s0 =	sadd.s32 $0x18B00, s0;
	s18 =	simm.s32 $0x50;
	[dreg:$0xc] =	wrdreg s26  }
0x16: {  	s22 =	simm.s32 $0x1;
	s4 =	simm.s32 $0x10;
	[dreg:$0xd] =	wrdreg s29  }
0x17: {  	[dreg:$0xe] =	wrdreg s0;
	s31 =	sadd.s32 $0x2300, s1;
	s0 =	simm.s32 $0x2800  }
0x18: {  	s24 =	simm.s32 $0x5000;
	s1 =	simm.s32 $0x7800;
	[dreg:$0x10] =	wrdreg s31  }
.LBB2_1:
0x19: {  	[dreg:$0x11] =	wrdreg s7  }
0x1a: {  	s23 =	rddreg [dreg:$0x5];
	s25 =	simm.s32 $0x15  }
0x1b: {  	[tilespmem:s3], [sflag:$0x15] =	stream.linear.gather [hbm4b:s23+s3], $0x2800, $0x38;
	[tilespmem:$0x1B800] =	vst v63  }
0x1c: {  	_ =	swait.ge [sflag:s25], $0x2800  }
0x1d: {  	[sflag:s25] =	ssyncset.done $0x0  }
0x1e: {  	[sflag:s25] =	ssyncadd.s32 $0xFFFFD800  }
0x1f: {  	[tilespmem:s0], [sflag:$0x1] =	stream.indirect.gather [hbm4b:s2+s18], $0x80, s3, s18, $0xb8;
	[tilespmem:$0x1B800] =	vst v63  }
0x20: {  	s26 =	simm.s32 $0x80  }
0x21: {  	[tilespmem:s24], [sflag:$0x2] =	stream.indirect.gather [hbm4b:s2+s18], $0x80, s26, s18, $0xb8;
	[tilespmem:$0x1B800] =	vst v63  }
0x22: {  	s30 =	simm.s32 $0x100  }
0x23: {  	[tilespmem:s1], [sflag:$0x3] =	stream.indirect.gather [hbm4b:s2+s18], $0x80, s30, s18, $0xb8;
	[tilespmem:$0x1B800] =	vst v63  }
0x24: {  	s31 =	simm.s32 $0x180  }
0x25: {  	[tilespmem:s28], [sflag:$0x4] =	stream.indirect.gather [hbm4b:s2+s18], $0x80, s31, s18, $0xb8;
	[tilespmem:$0x1B800] =	vst v63  }
0x26: {  	s7 =	simm.s32 $0x200;
	s20 =	simm.s32 $0xC800  }
0x27: {  	[tilespmem:s20], [sflag:$0x5] =	stream.indirect.gather [hbm4b:s2+s18], $0x80, s7, s18, $0xb8;
	[tilespmem:$0x1B800] =	vst v63  }
0x28: {  	s9 =	simm.s32 $0x280;
	s26 =	simm.s32 $0xF000  }
0x29: {  	[tilespmem:s26], [sflag:$0x6] =	stream.indirect.gather [hbm4b:s2+s18], $0x80, s9, s18, $0xb8;
	[tilespmem:$0x1B800] =	vst v63  }
0x2a: {  	_ =	swait.ge [sflag:s22], $0x2800  }
0x2b: {  	[sflag:s22] =	ssyncset.done $0x0  }
0x2c: {  	s25 =	rddreg [dreg:$0x4];
	[sflag:s22] =	ssyncadd.s32 $0xFFFFD800  }
0x2d: {  	[hbm4b:s25+s3] =	stream.linear.scatter [tilespmem:s0], [sflag:$0xB], $0x2800, $0x38;
	[tilespmem:$0x1B800] =	vst v63  }
0x2e: {  	s29 =	simm.s32 $0x11800;
	s30 =	simm.s32 $0x300  }
0x2f: {  	[tilespmem:s29], [sflag:$0x7] =	stream.indirect.gather [hbm4b:s2+s18], $0x80, s30, s18, $0xb8;
	[tilespmem:$0x1B800] =	vst v63  }
0x30: {  	_ =	swait.ge [sflag:s5], $0x2800  }
0x31: {  	[sflag:s5] =	ssyncset.done $0x0  }
0x32: {  	s31 =	rddreg [dreg:$0x6];
	[sflag:s5] =	ssyncadd.s32 $0xFFFFD800  }
0x33: {  	[hbm4b:s31+s3] =	stream.linear.scatter [tilespmem:s24], [sflag:$0xC], $0x2800, $0x38;
	[tilespmem:$0x1B800] =	vst v63  }
0x34: {  	s7 =	simm.s32 $0x380;
	s30 =	simm.s32 $0x14000  }
0x35: {  	[tilespmem:s30], [sflag:$0x8] =	stream.indirect.gather [hbm4b:s2+s18], $0x80, s7, s18, $0xb8;
	[tilespmem:$0x1B800] =	vst v63  }
0x36: {  	_ =	swait.ge [sflag:s6], $0x2800  }
0x37: {  	[sflag:s6] =	ssyncset.done $0x0  }
0x38: {  	s9 =	rddreg [dreg:$0x7];
	[sflag:s6] =	ssyncadd.s32 $0xFFFFD800  }
0x39: {  	[hbm4b:s9+s3] =	stream.linear.scatter [tilespmem:s1], [sflag:$0xD], $0x2800, $0x38;
	[tilespmem:$0x1B800] =	vst v63  }
0x3a: {  	s25 =	simm.s32 $0x400;
	s31 =	simm.s32 $0x16800  }
0x3b: {  	[tilespmem:s31], [sflag:$0x9] =	stream.indirect.gather [hbm4b:s2+s18], $0x80, s25, s18, $0xb8;
	[tilespmem:$0x1B800] =	vst v63  }
0x3c: {  	_ =	swait.ge [sflag:s8], $0x2800  }
0x3d: {  	[sflag:s8] =	ssyncset.done $0x0  }
0x3e: {  	s9 =	rddreg [dreg:$0x8];
	[sflag:s8] =	ssyncadd.s32 $0xFFFFD800  }
0x3f: {  	[hbm4b:s9+s3] =	stream.linear.scatter [tilespmem:s28], [sflag:$0xE], $0x2800, $0x38;
	[tilespmem:$0x1B800] =	vst v63  }
0x40: {  	s25 =	simm.s32 $0x480;
	s9 =	simm.s32 $0x19000  }
0x41: {  	[tilespmem:s9], [sflag:$0xA] =	stream.indirect.gather [hbm4b:s2+s18], $0x80, s25, s18, $0xb8;
	[tilespmem:$0x1B800] =	vst v63  }
0x42: {  	_ =	swait.ge [sflag:s10], $0x2800  }
0x43: {  	[sflag:s10] =	ssyncset.done $0x0  }
0x44: {  	s25 =	simm.s32 $0xB;
	s7 =	rddreg [dreg:$0x9];
	[sflag:s10] =	ssyncadd.s32 $0xFFFFD800  }
0x45: {  	[hbm4b:s7+s3] =	stream.linear.scatter [tilespmem:s20], [sflag:$0xF], $0x2800, $0x38;
	[tilespmem:$0x1B800] =	vst v63  }
0x46: {  	_ =	swait.ge [sflag:s25], $0x2800  }
0x47: {  	[sflag:s25] =	ssyncset.done $0x0  }
0x48: {  	s7 =	simm.s32 $0x500;
	[sflag:s25] =	ssyncadd.s32 $0xFFFFD800;
	s25 =	simm.s32 $0x6  }
0x49: {  	[tilespmem:s0], [sflag:$0x1] =	stream.indirect.gather [hbm4b:s2+s18], $0x80, s7, s18, $0xb8;
	[tilespmem:$0x1B800] =	vst v63  }
0x4a: {  	_ =	swait.ge [sflag:s25], $0x2800  }
0x4b: {  	[sflag:s25] =	ssyncset.done $0x0  }
0x4c: {  	[sflag:s25] =	ssyncadd.s32 $0xFFFFD800;
	s25 =	rddreg [dreg:$0x10]  }
0x4d: {  	s23 =	simm.s32 $0xC;
	s7 =	sadd.s32 $0xFFFFF600, s25  }
0x4e: {  	[hbm4b:s7+s3] =	stream.linear.scatter [tilespmem:s26], [sflag:$0x10], $0x2800, $0x38;
	[tilespmem:$0x1B800] =	vst v63  }
0x4f: {  	_ =	swait.ge [sflag:s23], $0x2800  }
0x50: {  	[sflag:s23] =	ssyncset.done $0x0  }
0x51: {  	s7 =	simm.s32 $0x580;
	[sflag:s23] =	ssyncadd.s32 $0xFFFFD800;
	s23 =	simm.s32 $0x7  }
0x52: {  	[tilespmem:s24], [sflag:$0x2] =	stream.indirect.gather [hbm4b:s2+s18], $0x80, s7, s18, $0xb8;
	[tilespmem:$0x1B800] =	vst v63  }
0x53: {  	_ =	swait.ge [sflag:s23], $0x2800  }
0x54: {  	[sflag:s23] =	ssyncset.done $0x0  }
0x55: {  	s7 =	sadd.s32 $0xFFFFFB00, s25;
	[sflag:s23] =	ssyncadd.s32 $0xFFFFD800;
	s23 =	simm.s32 $0xD  }
0x56: {  	[hbm4b:s7+s3] =	stream.linear.scatter [tilespmem:s29], [sflag:$0x11], $0x2800, $0x38;
	[tilespmem:$0x1B800] =	vst v63  }
0x57: {  	_ =	swait.ge [sflag:s23], $0x2800  }
0x58: {  	[sflag:s23] =	ssyncset.done $0x0  }
0x59: {  	s7 =	simm.s32 $0x600;
	[sflag:s23] =	ssyncadd.s32 $0xFFFFD800  }
0x5a: {  	[tilespmem:s1], [sflag:$0x3] =	stream.indirect.gather [hbm4b:s2+s18], $0x80, s7, s18, $0xb8;
	[tilespmem:$0x1B800] =	vst v63  }
0x5b: {  	_ =	swait.ge [sflag:s11], $0x2800  }
0x5c: {  	[sflag:s11] =	ssyncset.done $0x0  }
0x5d: {  	[sflag:s11] =	ssyncadd.s32 $0xFFFFD800  }
0x5e: {  	[hbm4b:s25+s3] =	stream.linear.scatter [tilespmem:s30], [sflag:$0x12], $0x2800, $0x38;
	[tilespmem:$0x1B800] =	vst v63  }
0x5f: {  	_ =	swait.ge [sflag:s12], $0x2800  }
0x60: {  	[sflag:s12] =	ssyncset.done $0x0  }
0x61: {  	s7 =	simm.s32 $0x680;
	[sflag:s12] =	ssyncadd.s32 $0xFFFFD800  }
0x62: {  	[tilespmem:s28], [sflag:$0x4] =	stream.indirect.gather [hbm4b:s2+s18], $0x80, s7, s18, $0xb8;
	[tilespmem:$0x1B800] =	vst v63  }
0x63: {  	_ =	swait.ge [sflag:s13], $0x2800  }
0x64: {  	[sflag:s13] =	ssyncset.done $0x0  }
0x65: {  	s7 =	sadd.s32 $0x500, s25;
	[sflag:s13] =	ssyncadd.s32 $0xFFFFD800  }
0x66: {  	[hbm4b:s7+s3] =	stream.linear.scatter [tilespmem:s31], [sflag:$0x13], $0x2800, $0x38;
	[tilespmem:$0x1B800] =	vst v63  }
0x67: {  	_ =	swait.ge [sflag:s14], $0x2800  }
0x68: {  	[sflag:s14] =	ssyncset.done $0x0  }
0x69: {  	s7 =	simm.s32 $0x700;
	[sflag:s14] =	ssyncadd.s32 $0xFFFFD800  }
0x6a: {  	[tilespmem:s20], [sflag:$0x5] =	stream.indirect.gather [hbm4b:s2+s18], $0x80, s7, s18, $0xb8;
	[tilespmem:$0x1B800] =	vst v63  }
0x6b: {  	_ =	swait.ge [sflag:s15], $0x2800  }
0x6c: {  	[sflag:s15] =	ssyncset.done $0x0  }
0x6d: {  	s7 =	sadd.s32 $0xA00, s25;
	[sflag:s15] =	ssyncadd.s32 $0xFFFFD800  }
0x6e: {  	[hbm4b:s7+s3] =	stream.linear.scatter [tilespmem:s9], [sflag:$0x14], $0x2800, $0x38;
	[tilespmem:$0x1B800] =	vst v63  }
0x6f: {  	_ =	swait.ge [sflag:s4], $0x2800  }
0x70: {  	[sflag:s4] =	ssyncset.done $0x0  }
0x71: {  	s20 =	simm.s32 $0x780;
	[sflag:s4] =	ssyncadd.s32 $0xFFFFD800  }
0x72: {  	[tilespmem:s26], [sflag:$0x6] =	stream.indirect.gather [hbm4b:s2+s18], $0x80, s20, s18, $0xb8;
	[tilespmem:$0x1B800] =	vst v63  }
0x73: {  	_ =	swait.ge [sflag:s22], $0x2800  }
0x74: {  	[sflag:s22] =	ssyncset.done $0x0  }
0x75: {  	s26 =	sadd.s32 $0xF00, s25;
	[sflag:s22] =	ssyncadd.s32 $0xFFFFD800  }
0x76: {  	[hbm4b:s26+s3] =	stream.linear.scatter [tilespmem:s0], [sflag:$0xB], $0x2800, $0x38;
	[tilespmem:$0x1B800] =	vst v63  }
0x77: {  	_ =	swait.ge [sflag:s17], $0x2800  }
0x78: {  	[sflag:s17] =	ssyncset.done $0x0  }
0x79: {  	s7 =	simm.s32 $0x800;
	[sflag:s17] =	ssyncadd.s32 $0xFFFFD800  }
0x7a: {  	[tilespmem:s29], [sflag:$0x7] =	stream.indirect.gather [hbm4b:s2+s18], $0x80, s7, s18, $0xb8;
	[tilespmem:$0x1B800] =	vst v63  }
0x7b: {  	_ =	swait.ge [sflag:s5], $0x2800  }
0x7c: {  	[sflag:s5] =	ssyncset.done $0x0  }
0x7d: {  	s20 =	sadd.s32 $0x1400, s25;
	[sflag:s5] =	ssyncadd.s32 $0xFFFFD800  }
0x7e: {  	[hbm4b:s20+s3] =	stream.linear.scatter [tilespmem:s24], [sflag:$0xC], $0x2800, $0x38;
	[tilespmem:$0x1B800] =	vst v63  }
0x7f: {  	_ =	swait.ge [sflag:s16], $0x2800  }
0x80: {  	[sflag:s16] =	ssyncset.done $0x0  }
0x81: {  	s22 =	simm.s32 $0x880;
	[sflag:s16] =	ssyncadd.s32 $0xFFFFD800  }
0x82: {  	[tilespmem:s30], [sflag:$0x8] =	stream.indirect.gather [hbm4b:s2+s18], $0x80, s22, s18, $0xb8;
	[tilespmem:$0x1B800] =	vst v63  }
0x83: {  	_ =	swait.ge [sflag:s6], $0x2800  }
0x84: {  	[sflag:s6] =	ssyncset.done $0x0  }
0x85: {  	s24 =	sadd.s32 $0x1900, s25;
	[sflag:s6] =	ssyncadd.s32 $0xFFFFD800  }
0x86: {  	[hbm4b:s24+s3] =	stream.linear.scatter [tilespmem:s1], [sflag:$0xD], $0x2800, $0x38;
	[tilespmem:$0x1B800] =	vst v63  }
0x87: {  	_ =	swait.ge [sflag:s19], $0x2800  }
0x88: {  	[sflag:s19] =	ssyncset.done $0x0  }
0x89: {  	s26 =	simm.s32 $0x900;
	[sflag:s19] =	ssyncadd.s32 $0xFFFFD800  }
0x8a: {  	[tilespmem:s31], [sflag:$0x9] =	stream.indirect.gather [hbm4b:s2+s18], $0x80, s26, s18, $0xb8;
	[tilespmem:$0x1B800] =	vst v63  }
0x8b: {  	_ =	swait.ge [sflag:s8], $0x2800  }
0x8c: {  	[sflag:s8] =	ssyncset.done $0x0  }
0x8d: {  	s30 =	sadd.s32 $0x1E00, s25;
	[sflag:s8] =	ssyncadd.s32 $0xFFFFD800  }
0x8e: {  	[hbm4b:s30+s3] =	stream.linear.scatter [tilespmem:s28], [sflag:$0xE], $0x2800, $0x38;
	[tilespmem:$0x1B800] =	vst v63  }
0x8f: {  	_ =	swait.ge [sflag:s21], $0x2800  }
0x90: {  	s23 =	simm.s32 $0x1400;
	[sflag:s21] =	ssyncset.done $0x0  }
0x91: {  	s0 =	simm.s32 $0x2800;
	s31 =	simm.s32 $0x980;
	[sflag:s21] =	ssyncadd.s32 $0xFFFFD800  }
0x92: {  	[tilespmem:s9], [sflag:$0xA] =	stream.indirect.gather [hbm4b:s2+s18], $0x80, s31, s18, $0xb8;
	[tilespmem:$0x1B800] =	vst v63  }
0x93: {  	s29 =	simm.s32 $0xA000;
	s22 =	simm.s32 $0x1;
	_ =	swait.ge [sflag:s10], $0x2800  }
0x94: {  	s24 =	simm.s32 $0x5000;
	s1 =	simm.s32 $0x7800;
	[sflag:s10] =	ssyncset.done $0x0  }
0x95: {  	s28 =	sadd.s32 $0x2300, s25;
	s25 =	sadd.s32 $0x3200, s25;
	[sflag:s10] =	ssyncadd.s32 $0xFFFFD800  }
.LBB2_2:
0x96: {  	s20 =	simm.s32 $0xC800  }
0x97: {  	[hbm4b:s28+s3] =	stream.linear.scatter [tilespmem:s20], [sflag:$0xF], $0x2800, $0x38;
	[tilespmem:$0x1B800] =	vst v63  }
0x98: {  	s5 =	simm.s32 $0xB;
	s28 =	smov.u32 s23  }
0x99: {  	p0 =	sne.s32 s23, $0x7800;
	s23 =	sadd.s32 $0x1400, s23;
	_ =	swait.ge [sflag:s5], $0x2800  }
0x9a: {  	s28 =	sshra.s32 s28, $0x2;
	[sflag:s5] =	ssyncset.done $0x0  }
0x9b: {  	s30 =	sadd.s32 $0x500, s28;
	[sflag:s5] =	ssyncadd.s32 $0xFFFFD800;
	s5 =	simm.s32 $0x6  }
0x9c: {  	[tilespmem:s0], [sflag:$0x1] =	stream.indirect.gather [hbm4b:s2+s18], $0x80, s30, s18, $0xb8;
	[tilespmem:$0x1B800] =	vst v63  }
0x9d: {  	_ =	swait.ge [sflag:s5], $0x2800  }
0x9e: {  	s26 =	simm.s32 $0xF000;
	[sflag:s5] =	ssyncset.done $0x0  }
0x9f: {  	s30 =	sadd.s32 $0xFFFFF600, s25;
	[sflag:s5] =	ssyncadd.s32 $0xFFFFD800;
	s5 =	simm.s32 $0xC  }
0xa0: {  	[hbm4b:s30+s3] =	stream.linear.scatter [tilespmem:s26], [sflag:$0x10], $0x2800, $0x38;
	[tilespmem:$0x1B800] =	vst v63  }
0xa1: {  	_ =	swait.ge [sflag:s5], $0x2800  }
0xa2: {  	[sflag:s5] =	ssyncset.done $0x0  }
0xa3: {  	s30 =	sadd.s32 $0x580, s28;
	[sflag:s5] =	ssyncadd.s32 $0xFFFFD800;
	s5 =	simm.s32 $0x7  }
0xa4: {  	[tilespmem:s24], [sflag:$0x2] =	stream.indirect.gather [hbm4b:s2+s18], $0x80, s30, s18, $0xb8;
	[tilespmem:$0x1B800] =	vst v63  }
0xa5: {  	_ =	swait.ge [sflag:s5], $0x2800  }
0xa6: {  	s6 =	simm.s32 $0xD;
	[sflag:s5] =	ssyncset.done $0x0  }
0xa7: {  	s30 =	sadd.s32 $0xFFFFFB00, s25;
	[sflag:s5] =	ssyncadd.s32 $0xFFFFD800;
	s5 =	simm.s32 $0x11800  }
0xa8: {  	[hbm4b:s30+s3] =	stream.linear.scatter [tilespmem:s5], [sflag:$0x11], $0x2800, $0x38;
	[tilespmem:$0x1B800] =	vst v63  }
0xa9: {  	_ =	swait.ge [sflag:s6], $0x2800  }
0xaa: {  	[sflag:s6] =	ssyncset.done $0x0  }
0xab: {  	s30 =	sadd.s32 $0x600, s28;
	[sflag:s6] =	ssyncadd.s32 $0xFFFFD800  }
0xac: {  	[tilespmem:s1], [sflag:$0x3] =	stream.indirect.gather [hbm4b:s2+s18], $0x80, s30, s18, $0xb8;
	[tilespmem:$0x1B800] =	vst v63  }
0xad: {  	_ =	swait.ge [sflag:s11], $0x2800  }
0xae: {  	[sflag:s11] =	ssyncset.done $0x0  }
0xaf: {  	s6 =	simm.s32 $0x14000;
	[sflag:s11] =	ssyncadd.s32 $0xFFFFD800  }
0xb0: {  	[hbm4b:s25+s3] =	stream.linear.scatter [tilespmem:s6], [sflag:$0x12], $0x2800, $0x38;
	[tilespmem:$0x1B800] =	vst v63  }
0xb1: {  	_ =	swait.ge [sflag:s12], $0x2800  }
0xb2: {  	[sflag:s12] =	ssyncset.done $0x0  }
0xb3: {  	s30 =	sadd.s32 $0x680, s28;
	[sflag:s12] =	ssyncadd.s32 $0xFFFFD800  }
0xb4: {  	[tilespmem:s29], [sflag:$0x4] =	stream.indirect.gather [hbm4b:s2+s18], $0x80, s30, s18, $0xb8;
	[tilespmem:$0x1B800] =	vst v63  }
0xb5: {  	_ =	swait.ge [sflag:s13], $0x2800  }
0xb6: {  	[sflag:s13] =	ssyncset.done $0x0  }
0xb7: {  	s8 =	simm.s32 $0x16800;
	s30 =	sadd.s32 $0x500, s25;
	[sflag:s13] =	ssyncadd.s32 $0xFFFFD800  }
0xb8: {  	[hbm4b:s30+s3] =	stream.linear.scatter [tilespmem:s8], [sflag:$0x13], $0x2800, $0x38;
	[tilespmem:$0x1B800] =	vst v63  }
0xb9: {  	_ =	swait.ge [sflag:s14], $0x2800  }
0xba: {  	[sflag:s14] =	ssyncset.done $0x0  }
0xbb: {  	s31 =	simm.s32 $0xC800;
	s30 =	sadd.s32 $0x700, s28;
	[sflag:s14] =	ssyncadd.s32 $0xFFFFD800  }
0xbc: {  	[tilespmem:s20], [sflag:$0x5] =	stream.indirect.gather [hbm4b:s2+s18], $0x80, s30, s18, $0xb8;
	[tilespmem:$0x1B800] =	vst v63  }
0xbd: {  	_ =	swait.ge [sflag:s15], $0x2800  }
0xbe: {  	[sflag:s15] =	ssyncset.done $0x0  }
0xbf: {  	s10 =	simm.s32 $0x19000;
	s30 =	sadd.s32 $0xA00, s25;
	[sflag:s15] =	ssyncadd.s32 $0xFFFFD800  }
0xc0: {  	[hbm4b:s30+s3] =	stream.linear.scatter [tilespmem:s10], [sflag:$0x14], $0x2800, $0x38;
	[tilespmem:$0x1B800] =	vst v63  }
0xc1: {  	_ =	swait.ge [sflag:s4], $0x2800  }
0xc2: {  	[sflag:s4] =	ssyncset.done $0x0  }
0xc3: {  	s20 =	simm.s32 $0xF000;
	s30 =	sadd.s32 $0x780, s28;
	[sflag:s4] =	ssyncadd.s32 $0xFFFFD800  }
0xc4: {  	[tilespmem:s26], [sflag:$0x6] =	stream.indirect.gather [hbm4b:s2+s18], $0x80, s30, s18, $0xb8;
	[tilespmem:$0x1B800] =	vst v63  }
0xc5: {  	_ =	swait.ge [sflag:s22], $0x2800  }
0xc6: {  	[sflag:s22] =	ssyncset.done $0x0  }
0xc7: {  	s30 =	sadd.s32 $0xF00, s25;
	[sflag:s22] =	ssyncadd.s32 $0xFFFFD800  }
0xc8: {  	[hbm4b:s30+s3] =	stream.linear.scatter [tilespmem:s0], [sflag:$0xB], $0x2800, $0x38;
	[tilespmem:$0x1B800] =	vst v63  }
0xc9: {  	_ =	swait.ge [sflag:s17], $0x2800  }
0xca: {  	[sflag:s17] =	ssyncset.done $0x0  }
0xcb: {  	s30 =	sadd.s32 $0x800, s28;
	[sflag:s17] =	ssyncadd.s32 $0xFFFFD800  }
0xcc: {  	[tilespmem:s5], [sflag:$0x7] =	stream.indirect.gather [hbm4b:s2+s18], $0x80, s30, s18, $0xb8;
	[tilespmem:$0x1B800] =	vst v63  }
0xcd: {  	s26 =	simm.s32 $0x11800;
	s5 =	simm.s32 $0x2  }
0xce: {  	_ =	swait.ge [sflag:s5], $0x2800  }
0xcf: {  	[sflag:s5] =	ssyncset.done $0x0  }
0xd0: {  	s30 =	sadd.s32 $0x1400, s25;
	[sflag:s5] =	ssyncadd.s32 $0xFFFFD800  }
0xd1: {  	[hbm4b:s30+s3] =	stream.linear.scatter [tilespmem:s24], [sflag:$0xC], $0x2800, $0x38;
	[tilespmem:$0x1B800] =	vst v63  }
0xd2: {  	_ =	swait.ge [sflag:s16], $0x2800  }
0xd3: {  	[sflag:s16] =	ssyncset.done $0x0  }
0xd4: {  	s30 =	sadd.s32 $0x880, s28;
	[sflag:s16] =	ssyncadd.s32 $0xFFFFD800  }
0xd5: {  	[tilespmem:s6], [sflag:$0x8] =	stream.indirect.gather [hbm4b:s2+s18], $0x80, s30, s18, $0xb8;
	[tilespmem:$0x1B800] =	vst v63  }
0xd6: {  	s7 =	simm.s32 $0x14000;
	s6 =	simm.s32 $0x3  }
0xd7: {  	_ =	swait.ge [sflag:s6], $0x2800  }
0xd8: {  	[sflag:s6] =	ssyncset.done $0x0  }
0xd9: {  	s30 =	sadd.s32 $0x1900, s25;
	[sflag:s6] =	ssyncadd.s32 $0xFFFFD800  }
0xda: {  	[hbm4b:s30+s3] =	stream.linear.scatter [tilespmem:s1], [sflag:$0xD], $0x2800, $0x38;
	[tilespmem:$0x1B800] =	vst v63  }
0xdb: {  	_ =	swait.ge [sflag:s19], $0x2800  }
0xdc: {  	[sflag:s19] =	ssyncset.done $0x0  }
0xdd: {  	s30 =	sadd.s32 $0x900, s28;
	[sflag:s19] =	ssyncadd.s32 $0xFFFFD800  }
0xde: {  	[tilespmem:s8], [sflag:$0x9] =	stream.indirect.gather [hbm4b:s2+s18], $0x80, s30, s18, $0xb8;
	[tilespmem:$0x1B800] =	vst v63  }
0xdf: {  	s9 =	simm.s32 $0x16800;
	s8 =	simm.s32 $0x4  }
0xe0: {  	_ =	swait.ge [sflag:s8], $0x2800  }
0xe1: {  	[sflag:s8] =	ssyncset.done $0x0  }
0xe2: {  	s30 =	sadd.s32 $0x1E00, s25;
	[sflag:s8] =	ssyncadd.s32 $0xFFFFD800  }
0xe3: {  	[hbm4b:s30+s3] =	stream.linear.scatter [tilespmem:s29], [sflag:$0xE], $0x2800, $0x38;
	[tilespmem:$0x1B800] =	vst v63  }
0xe4: {  	_ =	swait.ge [sflag:s21], $0x2800  }
0xe5: {  	[sflag:s21] =	ssyncset.done $0x0  }
0xe6: {  	s28 =	sadd.s32 $0x980, s28;
	[sflag:s21] =	ssyncadd.s32 $0xFFFFD800  }
0xe7: {  	[tilespmem:s10], [sflag:$0xA] =	stream.indirect.gather [hbm4b:s2+s18], $0x80, s28, s18, $0xb8;
	[tilespmem:$0x1B800] =	vst v63  }
.Ltmp0:
0xe8: {  	_ = 	snop;
	(pc) =	sbr.rel @p0 .LBB2_2-.Ltmp0, $4  }
0xe9: {  	s30 =	simm.s32 $0x19000;
	s10 =	simm.s32 $0x5  }
0xea: {  	_ =	swait.ge [sflag:s10], $0x2800  }
0xeb: {  	[sflag:s10] =	ssyncset.done $0x0  }
0xec: {  	s28 =	sadd.s32 $0x2300, s25;
	s25 =	sadd.s32 $0x3200, s25;
	[sflag:s10] =	ssyncadd.s32 $0xFFFFD800  }
0xed: {  	[hbm4b:s28+s3] =	stream.linear.scatter [tilespmem:s31], [sflag:$0xF], $0x2800, $0x38;
	[tilespmem:$0x1B800] =	vst v63  }
0xee: {  	s0 =	simm.s32 $0xB  }
0xef: {  	_ =	swait.ge [sflag:s0], $0x2800  }
0xf0: {  	[sflag:s0] =	ssyncset.done $0x0  }
0xf1: {  	s31 =	simm.s32 $0x6;
	[sflag:s0] =	ssyncadd.s32 $0xFFFFD800  }
0xf2: {  	_ =	swait.ge [sflag:s31], $0x2800  }
0xf3: {  	[sflag:s31] =	ssyncset.done $0x0  }
0xf4: {  	s1 =	simm.s32 $0xC;
	s23 =	rddreg [dreg:$0xa];
	[sflag:s31] =	ssyncadd.s32 $0xFFFFD800  }
0xf5: {  	[hbm4b:s23+s3] =	stream.linear.scatter [tilespmem:s20], [sflag:$0x10], $0x2800, $0x38;
	[tilespmem:$0x1B800] =	vst v63  }
0xf6: {  	_ =	swait.ge [sflag:s1], $0x2800  }
0xf7: {  	[sflag:s1] =	ssyncset.done $0x0  }
0xf8: {  	s20 =	simm.s32 $0x7;
	[sflag:s1] =	ssyncadd.s32 $0xFFFFD800  }
0xf9: {  	_ =	swait.ge [sflag:s20], $0x2800  }
0xfa: {  	[sflag:s20] =	ssyncset.done $0x0  }
0xfb: {  	s24 =	simm.s32 $0xD;
	s22 =	rddreg [dreg:$0xb];
	[sflag:s20] =	ssyncadd.s32 $0xFFFFD800  }
0xfc: {  	[hbm4b:s22+s3] =	stream.linear.scatter [tilespmem:s26], [sflag:$0x11], $0x2800, $0x38;
	[tilespmem:$0x1B800] =	vst v63  }
0xfd: {  	_ =	swait.ge [sflag:s24], $0x2800  }
0xfe: {  	[sflag:s24] =	ssyncset.done $0x0  }
0xff: {  	[sflag:s24] =	ssyncadd.s32 $0xFFFFD800  }
0x100: {  	_ =	swait.ge [sflag:s11], $0x2800  }
0x101: {  	[sflag:s11] =	ssyncset.done $0x0  }
0x102: {  	s25 =	rddreg [dreg:$0xc];
	[sflag:s11] =	ssyncadd.s32 $0xFFFFD800  }
0x103: {  	[hbm4b:s25+s3] =	stream.linear.scatter [tilespmem:s7], [sflag:$0x12], $0x2800, $0x38;
	[tilespmem:$0x1B800] =	vst v63  }
0x104: {  	_ =	swait.ge [sflag:s12], $0x2800  }
0x105: {  	[sflag:s12] =	ssyncset.done $0x0  }
0x106: {  	[sflag:s12] =	ssyncadd.s32 $0xFFFFD800  }
0x107: {  	_ =	swait.ge [sflag:s13], $0x2800  }
0x108: {  	[sflag:s13] =	ssyncset.done $0x0  }
0x109: {  	s26 =	rddreg [dreg:$0xd];
	[sflag:s13] =	ssyncadd.s32 $0xFFFFD800  }
0x10a: {  	[hbm4b:s26+s3] =	stream.linear.scatter [tilespmem:s9], [sflag:$0x13], $0x2800, $0x38;
	[tilespmem:$0x1B800] =	vst v63  }
0x10b: {  	_ =	swait.ge [sflag:s14], $0x2800  }
0x10c: {  	[sflag:s14] =	ssyncset.done $0x0  }
0x10d: {  	[sflag:s14] =	ssyncadd.s32 $0xFFFFD800  }
0x10e: {  	_ =	swait.ge [sflag:s15], $0x2800  }
0x10f: {  	[sflag:s15] =	ssyncset.done $0x0  }
0x110: {  	s29 =	rddreg [dreg:$0xe];
	[sflag:s15] =	ssyncadd.s32 $0xFFFFD800  }
0x111: {  	[hbm4b:s29+s3] =	stream.linear.scatter [tilespmem:s30], [sflag:$0x14], $0x2800, $0x38;
	[tilespmem:$0x1B800] =	vst v63  }
0x112: {  	_ =	swait.ge [sflag:s4], $0x2800  }
0x113: {  	[sflag:s4] =	ssyncset.done $0x0  }
0x114: {  	[sflag:s4] =	ssyncadd.s32 $0xFFFFD800  }
0x115: {  	_ =	swait.ge [sflag:s17], $0x2800  }
0x116: {  	[sflag:s17] =	ssyncset.done $0x0  }
0x117: {  	[sflag:s17] =	ssyncadd.s32 $0xFFFFD800  }
0x118: {  	_ =	swait.ge [sflag:s16], $0x2800  }
0x119: {  	[sflag:s16] =	ssyncset.done $0x0  }
0x11a: {  	[sflag:s16] =	ssyncadd.s32 $0xFFFFD800  }
0x11b: {  	_ =	swait.ge [sflag:s19], $0x2800  }
0x11c: {  	[sflag:s19] =	ssyncset.done $0x0  }
0x11d: {  	[sflag:s19] =	ssyncadd.s32 $0xFFFFD800  }
0x11e: {  	_ =	swait.ge [sflag:s21], $0x2800  }
0x11f: {  	s30 =	rddreg [dreg:$0x11]  }
0x120: {  	s31 =	rddreg [dreg:$0xf];
	s7 =	sadd.s32 $0x1, s30  }
0x121: {  	p0 =	sne.s32 s7, s31  }
.Ltmp1:
0x122: {  	_ = 	snop;
	(pc) =	sbr.rel @p0 .LBB2_1-.Ltmp1, $4  }
0x123: {  	_ = 	snop  }
0x124: {  	s28 =	simm.s32 $0xA000  }
0x125: {  	s0 =	simm.s32 $0x2800;
	s1 =	simm.s32 $0x7800;
	[sflag:s21] =	ssyncset.done $0x0  }
0x126: {  	s22 =	simm.s32 $0x1;
	s24 =	simm.s32 $0x5000;
	[sflag:s21] =	ssyncadd.s32 $0xFFFFD800  }
0x127: {  	_ =	sfence.sel $0x180000  }
0x128: {  	[bflag:$0x0] =	sbarrier.arrive $0xFFFF  }
0x129: {  	_ =	strace $0x90000047  }
0x12a: {  	s0 =	stileid.u32;
	[bflag:$0x2] =	sbarrier.arrive $0xFFFF  }
0x12b: {  	p0 =	sne.s32 s0, $0x0;
	s0 =	rddreg [dreg:$0x3]  }
0x12c: {  	s0 =	sadd.s32 @!p0 $0x100000, s0  }
0x12d: {  	[sflag:s0] =	ssyncadd.tile.s32 @!p0 $0x1;
	_ =	shalt  }
.Lfunc_end2:
_tile_overlayer_lowered:
.L_overlay_start_2:
0x12e: {  	(tag) =	ssettag $0x2  }
0x12f: {  	s0 =	rddreg [dreg:$0x0];
	s2 =	stileid.u32  }
0x130: {  	s1 =	rddreg [dreg:$0x1];
	p0 =	sne.s32 s2, $0x0  }
0x131: {  	s3 =	rddreg [dreg:$0x2];
	[bflag:$0x3] =	sbarrier.arrive $0xFFFF;
	s2 =	simm.s32 @!p0 $0x1C15  }
0x132: {  	[timem:s3], [sflag:s2] =	dma.local @!p0 [hbm:s0], s1  }
0x133: {  	s0 =	simm.s32 @!p0 $0x15  }
0x134: {  	_ =	swait.ge @!p0 [sflag:s0], s1  }
0x135: {  	s1 =	ssub.s32 @!p0 $0x0, s1;
	[sflag:s0] =	ssyncset.done @!p0 $0x0  }
0x136: {  	[sflag:s0] =	ssyncadd.s32 @!p0 s1  }
0x137: {  	[bflag:$0x3] =	sbarrier.arrive $0xFFFF  }
0x138: {  	_ =	shalt  }

</sc_bundles>
